<compile_context>
chip_gen: v7x
topology: tpu7x:2x2x1
jax: 0.10.2.dev20260603
libtpu: 0.0.44.dev20260713+nightly
codegen_flags: <defaults>
</compile_context>

<pallas_src>
import functools

import jax
import jax.numpy as jnp
from jax import lax
from jax.experimental import pallas as pl
from jax.experimental.pallas import tpu as pltpu
from jax.experimental.pallas import tpu_sc as plsc

N = 10000
E = 320000
D = 128
H1 = 128
H2 = 64
C = 8

NC = 2
NS = 16
NW = NC * NS
FPW = D // NW
CE = 8000
NCHUNK = E // CE

_mesh = plsc.VectorSubcoreMesh(core_axis_name="c", subcore_axis_name="s")


@functools.partial(
    pl.kernel,
    out_type=jax.ShapeDtypeStruct((NW, FPW, N), jnp.float32),
    mesh=_mesh,
    scratch_types=[
        pltpu.VMEM((CE,), jnp.int32),
        pltpu.VMEM((CE,), jnp.int32),
        pltpu.VMEM((CE,), jnp.int32),
        pltpu.VMEM((CE,), jnp.int32),
        pltpu.VMEM((FPW, N), jnp.float32),
        pltpu.VMEM((N,), jnp.float32),
        pltpu.VMEM((N,), jnp.float32),
        pltpu.VMEM((N,), jnp.float32),
        pltpu.VMEM((N,), jnp.float32),
        pltpu.VMEM((N,), jnp.int32),
        pltpu.SemaphoreType.DMA,
        pltpu.SemaphoreType.DMA,
    ],
    compiler_params=pltpu.CompilerParams(needs_layout_passes=False),
)
def _seg_max(hpt_hbm, src_hbm, dst_hbm, out_hbm,
             src0_v, dst0_v, src1_v, dst1_v, hp_v,
             acc0_v, acc1_v, acc2_v, acc3_v, tmp_v, ce0, ce1):
    cid = lax.axis_index("c")
    sid = lax.axis_index("s")
    wid = sid * NC + cid
    accs = (acc0_v, acc1_v, acc2_v, acc3_v)

    pltpu.sync_copy(hpt_hbm.at[wid], hp_v)

    zf = jnp.zeros((16,), jnp.float32)

    def _zero(i, carry):
        for f in range(FPW):
            accs[f][pl.ds(i * 16, 16)] = zf
        return carry

    lax.fori_loop(0, N // 16, _zero, 0)

    def _fire_chunk(c, sbuf, dbuf, sem):
        pltpu.async_copy(src_hbm.at[pl.ds(c * CE, CE)], sbuf, sem)
        pltpu.async_copy(dst_hbm.at[pl.ds(c * CE, CE)], dbuf, sem)

    def _wait_chunk(sbuf, dbuf, sem):
        pltpu.make_async_copy(src_hbm.at[pl.ds(0, CE)], sbuf, sem).wait()
        pltpu.make_async_copy(dst_hbm.at[pl.ds(0, CE)], dbuf, sem).wait()

    def _process_chunk(sbuf, dbuf):
        li = lax.iota(jnp.int32, 16)

        def _vreg(i, carry):
            sv = sbuf[pl.ds(i * 16, 16)]
            dv = dbuf[pl.ds(i * 16, 16)]
            plsc.store_scatter(tmp_v, [dv], li)
            t = plsc.load_gather(tmp_v, [dv])
            for f in range(FPW):
                ff = jnp.full((16,), f, jnp.int32)
                g = plsc.load_gather(hp_v, [ff, sv])
                a = plsc.load_gather(accs[f], [dv])
                plsc.store_scatter(accs[f], [dv], jnp.maximum(a, g))
            cnt = plsc.all_reduce_population_count(t == li)

            @pl.when(cnt[0] < 16)
            def _():
                def _edge(j, carry2):
                    mj = li == j
                    for f in range(FPW):
                        ff = jnp.full((16,), f, jnp.int32)
                        g = plsc.load_gather(hp_v, [ff, sv])
                        a = plsc.load_gather(accs[f], [dv])
                        plsc.store_scatter(accs[f], [dv],
                                           jnp.maximum(a, g), mask=mj)
                    return carry2

                lax.fori_loop(0, 16, _edge, 0)

            return carry

        lax.fori_loop(0, CE // 16, _vreg, 0)

    _fire_chunk(0, src0_v, dst0_v, ce0)

    def _cpair(p, carry):
        c0 = 2 * p
        _fire_chunk(c0 + 1, src1_v, dst1_v, ce1)
        _wait_chunk(src0_v, dst0_v, ce0)
        _process_chunk(src0_v, dst0_v)

        @pl.when(c0 + 2 < NCHUNK)
        def _():
            _fire_chunk(c0 + 2, src0_v, dst0_v, ce0)

        _wait_chunk(src1_v, dst1_v, ce1)
        _process_chunk(src1_v, dst1_v)
        return carry

    lax.fori_loop(0, NCHUNK // 2, _cpair, 0)

    for f in range(FPW):
        pltpu.sync_copy(accs[f], out_hbm.at[wid, f])


def _pool_body(x_ref, wt_ref, b_ref, o_ref):
    y = jnp.dot(x_ref[...], wt_ref[...], preferred_element_type=jnp.float32)
    o_ref[...] = jnp.maximum(y + b_ref[...], 0.0)


def _pool(x, wt, b2d):
    bm = 1000
    return pl.pallas_call(
        _pool_body,
        out_shape=jax.ShapeDtypeStruct((N, D), jnp.float32),
        grid=(N // bm,),
        in_specs=[
            pl.BlockSpec((bm, D), lambda i: (i, 0)),
            pl.BlockSpec((D, D), lambda i: (0, 0)),
            pl.BlockSpec((1, D), lambda i: (0, 0)),
        ],
        out_specs=pl.BlockSpec((bm, D), lambda i: (i, 0)),
    )(x, wt, b2d)


def _head_body(x_ref, hnt_ref, wst_ref, wn_ref, bs_ref,
               w1t_ref, b1_ref, w2t_ref, b2_ref, o_ref):
    hn_term = jnp.dot(hnt_ref[...], wn_ref[...],
                      preferred_element_type=jnp.float32)
    rst = (jnp.dot(x_ref[...], wst_ref[...], preferred_element_type=jnp.float32)
           + hn_term + bs_ref[...])
    h = jnp.where(rst >= 0, rst, 0.01 * rst)
    h = jnp.dot(h, w1t_ref[...], preferred_element_type=jnp.float32) + b1_ref[...]
    h = jnp.where(h >= 0, h, 0.01 * h)
    h = jnp.dot(h, w2t_ref[...], preferred_element_type=jnp.float32) + b2_ref[...]
    o_ref[...] = 1.0 / (1.0 + jnp.exp(-h))


def _head(x, hnt, wst, wn, bs, w1t, b1, w2t, b2):
    bm = 1000
    return pl.pallas_call(
        _head_body,
        out_shape=jax.ShapeDtypeStruct((N, C), jnp.float32),
        grid=(N // bm,),
        in_specs=[
            pl.BlockSpec((bm, D), lambda i: (i, 0)),
            pl.BlockSpec((bm, D), lambda i: (i, 0)),
            pl.BlockSpec((D, H1), lambda i: (0, 0)),
            pl.BlockSpec((D, H1), lambda i: (0, 0)),
            pl.BlockSpec((1, H1), lambda i: (0, 0)),
            pl.BlockSpec((H1, H2), lambda i: (0, 0)),
            pl.BlockSpec((1, H2), lambda i: (0, 0)),
            pl.BlockSpec((H2, C), lambda i: (0, 0)),
            pl.BlockSpec((1, C), lambda i: (0, 0)),
        ],
        out_specs=pl.BlockSpec((bm, C), lambda i: (i, 0)),
    )(x, hnt, wst, wn, bs, w1t, b1, w2t, b2)


def kernel(in_feat, edge_index, W_pool, b_pool, W_self, W_neigh, b_sage,
           W1, b1, W2, b2):
    src = edge_index[0]
    dst = edge_index[1]
    h_pool = _pool(in_feat, W_pool.T, b_pool.reshape(1, D))
    hpt = jnp.swapaxes(h_pool, 0, 1).reshape(NW, FPW, N)
    hn = jnp.swapaxes(_seg_max(hpt, src, dst).reshape(D, N), 0, 1)
    return _head(in_feat, hn, W_self.T, W_neigh.T, b_sage.reshape(1, H1),
                 W1.T, b1.reshape(1, H2), W2.T, b2.reshape(1, C))

# --- scband reference (transcript-rebuilt; emitter-appended) ---
"""Pipeline reference for scband-gnn12-46093589020762 (READ-ONLY COPY).

The authoritative reference and input builder live on the scoring server;
editing this copy changes nothing except your own understanding.
"""

import jax, jax.numpy as jnp
import numpy as np

N = 10000
E = 320000
D = 128
H1 = 128
H2 = 64
C = 8


def setup_inputs(seed: int = 0) -> dict:
    key = jax.random.key(seed)
    ks = jax.random.split(key, 12)
    in_feat = jax.random.normal(ks[0], (N, D), dtype=jnp.float32)
    edge_index = jax.random.randint(ks[1], (2, E), 0, N, dtype=jnp.int32)
    s = 0.05
    # DGL SAGEConv('pool') params
    W_pool = jax.random.normal(ks[2], (D, D), dtype=jnp.float32) * s
    b_pool = jnp.zeros((D,), dtype=jnp.float32)
    W_self = jax.random.normal(ks[3], (H1, D), dtype=jnp.float32) * s
    W_neigh = jax.random.normal(ks[4], (H1, D), dtype=jnp.float32) * s
    b_sage = jnp.zeros((H1,), dtype=jnp.float32)
    # MLP head
    W1 = jax.random.normal(ks[5], (H2, H1), dtype=jnp.float32) * s
    b1 = jnp.zeros((H2,), dtype=jnp.float32)
    W2 = jax.random.normal(ks[6], (C, H2), dtype=jnp.float32) * s
    b2 = jnp.zeros((C,), dtype=jnp.float32)
    return {"in_feat": in_feat, "edge_index": edge_index,
            "W_pool": W_pool, "b_pool": b_pool,
            "W_self": W_self, "W_neigh": W_neigh, "b_sage": b_sage,
            "W1": W1, "b1": b1, "W2": W2, "b2": b2}


def reference(in_feat, edge_index, W_pool, b_pool, W_self, W_neigh, b_sage, W1, b1, W2, b2):
    src = edge_index[0]
    dst = edge_index[1]
    # SAGEConv pool aggregator: max over neighbors of relu(fc_pool(h_src))
    h_pool = jax.nn.relu(in_feat @ W_pool.T + b_pool)
    msgs = h_pool[src]                                   # gather per edge
    h_neigh = jax.ops.segment_max(msgs, dst, num_segments=N)
    h_neigh = jnp.where(jnp.isfinite(h_neigh), h_neigh, 0.0)  # zero-in-degree nodes
    rst = in_feat @ W_self.T + h_neigh @ W_neigh.T + b_sage
    h = jax.nn.leaky_relu(rst, 0.01)
    h = h @ W1.T + b1
    h = jax.nn.leaky_relu(h, 0.01)
    # dropout is identity in eval mode
    h = h @ W2.T + b2
    return jax.nn.sigmoid(h)

if __name__ == "__main__":
    import jax
    _d = setup_inputs()
    print(jax.jit(kernel)(*tuple(_d.values())))

</pallas_src>

<mosaic_0001>
#map = affine_map<(d0, d1) -> (0, 0, 0)>
#map1 = affine_map<(d0, d1) -> (0)>
module attributes {stable_mosaic.version = 14 : i64} {
  func.func @_seg_max(%arg0: i32, %arg1: i32, %arg2: memref<32x4x10000xf32, #tpu.memory_space<hbm>>, %arg3: memref<320000xi32, #tpu.memory_space<hbm>>, %arg4: memref<320000xi32, #tpu.memory_space<hbm>>, %arg5: memref<32x4x10000xf32, #tpu.memory_space<hbm>>, %arg6: memref<8000xi32, #tpu.memory_space<vmem>>, %arg7: memref<8000xi32, #tpu.memory_space<vmem>>, %arg8: memref<8000xi32, #tpu.memory_space<vmem>>, %arg9: memref<8000xi32, #tpu.memory_space<vmem>>, %arg10: memref<4x10000xf32, #tpu.memory_space<vmem>>, %arg11: memref<10000xf32, #tpu.memory_space<vmem>>, %arg12: memref<10000xf32, #tpu.memory_space<vmem>>, %arg13: memref<10000xf32, #tpu.memory_space<vmem>>, %arg14: memref<10000xf32, #tpu.memory_space<vmem>>, %arg15: memref<10000xi32, #tpu.memory_space<vmem>>, %arg16: memref<!tpu.dma_semaphore, #tpu.memory_space<semaphore_mem>>, %arg17: memref<!tpu.dma_semaphore, #tpu.memory_space<semaphore_mem>>) attributes {dimension_semantics = [#tpu.dimension_semantics<core_parallel>, #tpu.dimension_semantics<subcore_parallel>], iteration_bounds = array<i64: 2, 16>, scalar_prefetch = 0 : i64, scratch_operands = 12 : i64, tpu.core_type = #tpu.core_type<sc_vector_subcore>, window_params = [{transform_indices = #map}, {transform_indices = #map1}, {transform_indices = #map1}, {transform_indices = #map}]} {
    %mul3A = arith.constant 2 : i32
    %mul3A_0 = arith.muli %arg1, %mul3A : i32
    %add3A = arith.addi %mul3A_0, %arg0 : i32
    "tpu.region"() ({
      %run_scoped3A_23 = tpu.sem_alloc : memref<!tpu.dma_semaphore, #tpu.memory_space<semaphore_mem>>
      %dma_start3A_24 = arith.constant 0 : i32
      %dma_start3A_25 = arith.constant 0 : i32
      %dma_start3A_26 = tpu.memref_slice %arg2[%add3A, %dma_start3A_24, %dma_start3A_25] : memref<32x4x10000xf32, #tpu.memory_space<hbm>> -> memref<1x4x10000xf32, #tpu.memory_space<hbm>>
      %dma_start3A_27 = tpu.memref_squeeze %dma_start3A_26 : memref<1x4x10000xf32, #tpu.memory_space<hbm>> -> memref<4x10000xf32, #tpu.memory_space<hbm>>
      %dma_start3A_28 = arith.constant 0 : i32
      %dma_start3A_29 = arith.constant 0 : i32
      %dma_start3A_30 = tpu.memref_slice %arg2[%add3A, %dma_start3A_28, %dma_start3A_29] : memref<32x4x10000xf32, #tpu.memory_space<hbm>> -> memref<1x4x10000xf32, #tpu.memory_space<hbm>>
      %dma_start3A_31 = tpu.memref_squeeze %dma_start3A_30 : memref<1x4x10000xf32, #tpu.memory_space<hbm>> -> memref<4x10000xf32, #tpu.memory_space<hbm>>
      tpu.enqueue_dma source(%dma_start3A_31 : memref<4x10000xf32, #tpu.memory_space<hbm>>) target(%arg10 : memref<4x10000xf32, #tpu.memory_space<vmem>>) target_semaphore(%run_scoped3A_23 : memref<!tpu.dma_semaphore, #tpu.memory_space<semaphore_mem>>)
      %dma_wait3A = arith.constant 0 : i32
      %dma_wait3A_32 = arith.constant 0 : i32
      %dma_wait3A_33 = tpu.memref_slice %arg2[%add3A, %dma_wait3A, %dma_wait3A_32] : memref<32x4x10000xf32, #tpu.memory_space<hbm>> -> memref<1x4x10000xf32, #tpu.memory_space<hbm>>
      %dma_wait3A_34 = tpu.memref_squeeze %dma_wait3A_33 : memref<1x4x10000xf32, #tpu.memory_space<hbm>> -> memref<4x10000xf32, #tpu.memory_space<hbm>>
      %dma_wait3A_35 = arith.constant 0 : i32
      %dma_wait3A_36 = arith.constant 0 : i32
      %dma_wait3A_37 = tpu.memref_slice %arg2[%add3A, %dma_wait3A_35, %dma_wait3A_36] : memref<32x4x10000xf32, #tpu.memory_space<hbm>> -> memref<1x4x10000xf32, #tpu.memory_space<hbm>>
      %dma_wait3A_38 = tpu.memref_squeeze %dma_wait3A_37 : memref<1x4x10000xf32, #tpu.memory_space<hbm>> -> memref<4x10000xf32, #tpu.memory_space<hbm>>
      tpu.wait_dma2 semaphore(%run_scoped3A_23 : memref<!tpu.dma_semaphore, #tpu.memory_space<semaphore_mem>>) src(%dma_wait3A_38 : memref<4x10000xf32, #tpu.memory_space<hbm>>) dst(%arg10 : memref<4x10000xf32, #tpu.memory_space<vmem>>)
      tpu.yield
    }) : () -> ()
    %broadcast_in_dim3A = arith.constant 0.000000e+00 : f32
    %broadcast_in_dim3A_1 = vector.broadcast %broadcast_in_dim3A : f32 to vector<16xf32>
    %scan3A = arith.constant 0 : i32
    %scan3A_2 = arith.constant 0 : i32
    %scan3A_3 = arith.constant 625 : i32
    %scan3A_4 = arith.addi %scan3A_2, %scan3A_3 : i32
    %scan3A_5 = arith.constant 1 : i32
    scf.for %scan3A_23 = %scan3A_2 to %scan3A_4 step %scan3A_5  : i32 {
      %mul3A_24 = arith.constant 16 : i32
      %mul3A_25 = arith.muli %scan3A_23, %mul3A_24 : i32
      %swap3A = arith.index_cast %mul3A_25 : i32 to index
      %swap3A_26 = tpu.vector_load %arg11[%swap3A] {strides = array<i32>} : memref<10000xf32, #tpu.memory_space<vmem>>, vector<16xf32>,
      tpu.vector_store %arg11[%swap3A], %broadcast_in_dim3A_1 {strides = array<i32>} : memref<10000xf32, #tpu.memory_space<vmem>>, vector<16xf32>,
      %mul3A_27 = arith.constant 16 : i32
      %mul3A_28 = arith.muli %scan3A_23, %mul3A_27 : i32
      %swap3A_29 = arith.index_cast %mul3A_28 : i32 to index
      %swap3A_30 = tpu.vector_load %arg12[%swap3A_29] {strides = array<i32>} : memref<10000xf32, #tpu.memory_space<vmem>>, vector<16xf32>,
      tpu.vector_store %arg12[%swap3A_29], %broadcast_in_dim3A_1 {strides = array<i32>} : memref<10000xf32, #tpu.memory_space<vmem>>, vector<16xf32>,
      %mul3A_31 = arith.constant 16 : i32
      %mul3A_32 = arith.muli %scan3A_23, %mul3A_31 : i32
      %swap3A_33 = arith.index_cast %mul3A_32 : i32 to index
      %swap3A_34 = tpu.vector_load %arg13[%swap3A_33] {strides = array<i32>} : memref<10000xf32, #tpu.memory_space<vmem>>, vector<16xf32>,
      tpu.vector_store %arg13[%swap3A_33], %broadcast_in_dim3A_1 {strides = array<i32>} : memref<10000xf32, #tpu.memory_space<vmem>>, vector<16xf32>,
      %mul3A_35 = arith.constant 16 : i32
      %mul3A_36 = arith.muli %scan3A_23, %mul3A_35 : i32
      %swap3A_37 = arith.index_cast %mul3A_36 : i32 to index
      %swap3A_38 = tpu.vector_load %arg14[%swap3A_37] {strides = array<i32>} : memref<10000xf32, #tpu.memory_space<vmem>>, vector<16xf32>,
      tpu.vector_store %arg14[%swap3A_37], %broadcast_in_dim3A_1 {strides = array<i32>} : memref<10000xf32, #tpu.memory_space<vmem>>, vector<16xf32>,
    }
    %scan3A_6 = arith.constant 625 : i32
    %dma_start3A = arith.constant 0 : i32
    %dma_start3A_7 = tpu.memref_slice %arg3[%dma_start3A] : memref<320000xi32, #tpu.memory_space<hbm>> -> memref<8000xi32, #tpu.memory_space<hbm>>
    %dma_start3A_8 = arith.constant 0 : i32
    %dma_start3A_9 = tpu.memref_slice %arg3[%dma_start3A_8] : memref<320000xi32, #tpu.memory_space<hbm>> -> memref<8000xi32, #tpu.memory_space<hbm>>
    tpu.enqueue_dma source(%dma_start3A_9 : memref<8000xi32, #tpu.memory_space<hbm>>) target(%arg6 : memref<8000xi32, #tpu.memory_space<vmem>>) target_semaphore(%arg16 : memref<!tpu.dma_semaphore, #tpu.memory_space<semaphore_mem>>)
    %dma_start3A_10 = arith.constant 0 : i32
    %dma_start3A_11 = tpu.memref_slice %arg4[%dma_start3A_10] : memref<320000xi32, #tpu.memory_space<hbm>> -> memref<8000xi32, #tpu.memory_space<hbm>>
    %dma_start3A_12 = arith.constant 0 : i32
    %dma_start3A_13 = tpu.memref_slice %arg4[%dma_start3A_12] : memref<320000xi32, #tpu.memory_space<hbm>> -> memref<8000xi32, #tpu.memory_space<hbm>>
    tpu.enqueue_dma source(%dma_start3A_13 : memref<8000xi32, #tpu.memory_space<hbm>>) target(%arg7 : memref<8000xi32, #tpu.memory_space<vmem>>) target_semaphore(%arg16 : memref<!tpu.dma_semaphore, #tpu.memory_space<semaphore_mem>>)
    %scan3A_14 = arith.constant 0 : i32
    %scan3A_15 = arith.constant 0 : i32
    %scan3A_16 = arith.constant 20 : i32
    %scan3A_17 = arith.addi %scan3A_15, %scan3A_16 : i32
    %scan3A_18 = arith.constant 1 : i32
    scf.for %scan3A_23 = %scan3A_15 to %scan3A_17 step %scan3A_18  : i32 {
      %mul3A_24 = arith.constant 2 : i32
      %mul3A_25 = arith.muli %mul3A_24, %scan3A_23 : i32
      %add3A_26 = arith.constant 1 : i32
      %add3A_27 = arith.addi %mul3A_25, %add3A_26 : i32
      %mul3A_28 = arith.constant 8000 : i32
      %mul3A_29 = arith.muli %add3A_27, %mul3A_28 : i32
      %dma_start3A_30 = tpu.memref_slice %arg3[%mul3A_29] : memref<320000xi32, #tpu.memory_space<hbm>> -> memref<8000xi32, #tpu.memory_space<hbm>>
      %dma_start3A_31 = tpu.memref_slice %arg3[%mul3A_29] : memref<320000xi32, #tpu.memory_space<hbm>> -> memref<8000xi32, #tpu.memory_space<hbm>>
      tpu.enqueue_dma source(%dma_start3A_31 : memref<8000xi32, #tpu.memory_space<hbm>>) target(%arg8 : memref<8000xi32, #tpu.memory_space<vmem>>) target_semaphore(%arg17 : memref<!tpu.dma_semaphore, #tpu.memory_space<semaphore_mem>>)
      %mul3A_32 = arith.constant 8000 : i32
      %mul3A_33 = arith.muli %add3A_27, %mul3A_32 : i32
      %dma_start3A_34 = tpu.memref_slice %arg4[%mul3A_33] : memref<320000xi32, #tpu.memory_space<hbm>> -> memref<8000xi32, #tpu.memory_space<hbm>>
      %dma_start3A_35 = tpu.memref_slice %arg4[%mul3A_33] : memref<320000xi32, #tpu.memory_space<hbm>> -> memref<8000xi32, #tpu.memory_space<hbm>>
      tpu.enqueue_dma source(%dma_start3A_35 : memref<8000xi32, #tpu.memory_space<hbm>>) target(%arg9 : memref<8000xi32, #tpu.memory_space<vmem>>) target_semaphore(%arg17 : memref<!tpu.dma_semaphore, #tpu.memory_space<semaphore_mem>>)
      %dma_wait3A = arith.constant 0 : i32
      %dma_wait3A_36 = tpu.memref_slice %arg3[%dma_wait3A] : memref<320000xi32, #tpu.memory_space<hbm>> -> memref<8000xi32, #tpu.memory_space<hbm>>
      %dma_wait3A_37 = arith.constant 0 : i32
      %dma_wait3A_38 = tpu.memref_slice %arg3[%dma_wait3A_37] : memref<320000xi32, #tpu.memory_space<hbm>> -> memref<8000xi32, #tpu.memory_space<hbm>>
      tpu.wait_dma2 semaphore(%arg16 : memref<!tpu.dma_semaphore, #tpu.memory_space<semaphore_mem>>) src(%dma_wait3A_38 : memref<8000xi32, #tpu.memory_space<hbm>>) dst(%arg6 : memref<8000xi32, #tpu.memory_space<vmem>>)
      %dma_wait3A_39 = arith.constant 0 : i32
      %dma_wait3A_40 = tpu.memref_slice %arg4[%dma_wait3A_39] : memref<320000xi32, #tpu.memory_space<hbm>> -> memref<8000xi32, #tpu.memory_space<hbm>>
      %dma_wait3A_41 = arith.constant 0 : i32
      %dma_wait3A_42 = tpu.memref_slice %arg4[%dma_wait3A_41] : memref<320000xi32, #tpu.memory_space<hbm>> -> memref<8000xi32, #tpu.memory_space<hbm>>
      tpu.wait_dma2 semaphore(%arg16 : memref<!tpu.dma_semaphore, #tpu.memory_space<semaphore_mem>>) src(%dma_wait3A_42 : memref<8000xi32, #tpu.memory_space<hbm>>) dst(%arg7 : memref<8000xi32, #tpu.memory_space<vmem>>)
      %iota3A = tpu.iota {dimensions = array<i32: 0>} : vector<16xi32>
      %scan3A_43 = arith.constant 0 : i32
      %scan3A_44 = arith.constant 0 : i32
      %scan3A_45 = arith.constant 500 : i32
      %scan3A_46 = arith.addi %scan3A_44, %scan3A_45 : i32
      %scan3A_47 = arith.constant 1 : i32
      scf.for %scan3A_68 = %scan3A_44 to %scan3A_46 step %scan3A_47  : i32 {
        %mul3A_69 = arith.constant 16 : i32
        %mul3A_70 = arith.muli %scan3A_68, %mul3A_69 : i32
        %get3A = arith.index_cast %mul3A_70 : i32 to index
        %get3A_71 = tpu.vector_load %arg6[%get3A] {strides = array<i32>} : memref<8000xi32, #tpu.memory_space<vmem>>, vector<16xi32>,
        %mul3A_72 = arith.constant 16 : i32
        %mul3A_73 = arith.muli %scan3A_68, %mul3A_72 : i32
        %get3A_74 = arith.index_cast %mul3A_73 : i32 to index
        %get3A_75 = tpu.vector_load %arg7[%get3A_74] {strides = array<i32>} : memref<8000xi32, #tpu.memory_space<vmem>>, vector<16xi32>,
        tpu.vector_store_idx %arg15[%get3A_75], %iota3A : memref<10000xi32, #tpu.memory_space<vmem>>[vector<16xi32>], vector<16xi32>,
        %gather3A = tpu.vector_load_idx %arg15[%get3A_75] : memref<10000xi32, #tpu.memory_space<vmem>>[vector<16xi32>], vector<16xi32>,
        %broadcast_in_dim3A_76 = arith.constant 0 : i32
        %broadcast_in_dim3A_77 = vector.broadcast %broadcast_in_dim3A_76 : i32 to vector<16xi32>
        %gather3A_78 = tpu.vector_load_idx %arg10[%broadcast_in_dim3A_77, %get3A_71] : memref<4x10000xf32, #tpu.memory_space<vmem>>[vector<16xi32>, vector<16xi32>], vector<16xf32>,
        %gather3A_79 = tpu.vector_load_idx %arg11[%get3A_75] : memref<10000xf32, #tpu.memory_space<vmem>>[vector<16xi32>], vector<16xf32>,
        %max3A = arith.maximumf %gather3A_79, %gather3A_78 : vector<16xf32>
        tpu.vector_store_idx %arg11[%get3A_75], %max3A : memref<10000xf32, #tpu.memory_space<vmem>>[vector<16xi32>], vector<16xf32>,
        %broadcast_in_dim3A_80 = arith.constant 1 : i32
        %broadcast_in_dim3A_81 = vector.broadcast %broadcast_in_dim3A_80 : i32 to vector<16xi32>
        %gather3A_82 = tpu.vector_load_idx %arg10[%broadcast_in_dim3A_81, %get3A_71] : memref<4x10000xf32, #tpu.memory_space<vmem>>[vector<16xi32>, vector<16xi32>], vector<16xf32>,
        %gather3A_83 = tpu.vector_load_idx %arg12[%get3A_75] : memref<10000xf32, #tpu.memory_space<vmem>>[vector<16xi32>], vector<16xf32>,
        %max3A_84 = arith.maximumf %gather3A_83, %gather3A_82 : vector<16xf32>
        tpu.vector_store_idx %arg12[%get3A_75], %max3A_84 : memref<10000xf32, #tpu.memory_space<vmem>>[vector<16xi32>], vector<16xf32>,
        %broadcast_in_dim3A_85 = arith.constant 2 : i32
        %broadcast_in_dim3A_86 = vector.broadcast %broadcast_in_dim3A_85 : i32 to vector<16xi32>
        %gather3A_87 = tpu.vector_load_idx %arg10[%broadcast_in_dim3A_86, %get3A_71] : memref<4x10000xf32, #tpu.memory_space<vmem>>[vector<16xi32>, vector<16xi32>], vector<16xf32>,
        %gather3A_88 = tpu.vector_load_idx %arg13[%get3A_75] : memref<10000xf32, #tpu.memory_space<vmem>>[vector<16xi32>], vector<16xf32>,
        %max3A_89 = arith.maximumf %gather3A_88, %gather3A_87 : vector<16xf32>
        tpu.vector_store_idx %arg13[%get3A_75], %max3A_89 : memref<10000xf32, #tpu.memory_space<vmem>>[vector<16xi32>], vector<16xf32>,
        %broadcast_in_dim3A_90 = arith.constant 3 : i32
        %broadcast_in_dim3A_91 = vector.broadcast %broadcast_in_dim3A_90 : i32 to vector<16xi32>
        %gather3A_92 = tpu.vector_load_idx %arg10[%broadcast_in_dim3A_91, %get3A_71] : memref<4x10000xf32, #tpu.memory_space<vmem>>[vector<16xi32>, vector<16xi32>], vector<16xf32>,
        %gather3A_93 = tpu.vector_load_idx %arg14[%get3A_75] : memref<10000xf32, #tpu.memory_space<vmem>>[vector<16xi32>], vector<16xf32>,
        %max3A_94 = arith.maximumf %gather3A_93, %gather3A_92 : vector<16xf32>
        tpu.vector_store_idx %arg14[%get3A_75], %max3A_94 : memref<10000xf32, #tpu.memory_space<vmem>>[vector<16xi32>], vector<16xf32>,
        %eq3A = arith.cmpi eq, %gather3A, %iota3A : vector<16xi32>
        %all_reduce_population_count3A = tpu.all_reduce %eq3A {dim = 0 : i64, kind = #tpu.reduction_kind<sum>} : vector<16xi1> -> vector<16xi32>
        %slice3A = vector.extract_strided_slice %all_reduce_population_count3A {offsets = [0], sizes = [1], strides = [1]} : vector<16xi32> to vector<1xi32>
        %squeeze3A = vector.extract %slice3A[0] : i32 from vector<1xi32>
        %lt3A_95 = arith.constant 16 : i32
        %lt3A_96 = arith.cmpi slt, %squeeze3A, %lt3A_95 : i32
        %convert_element_type3A_97 = arith.extui %lt3A_96 : i1 to i32
        %cond3A_98 = arith.constant 0 : i32
        %cond3A_99 = arith.cmpi ne, %convert_element_type3A_97, %cond3A_98 : i32
        scf.if %cond3A_99 {
          %scan3A_100 = arith.constant 0 : i32
          %scan3A_101 = arith.constant 0 : i32
          %scan3A_102 = arith.constant 16 : i32
          %scan3A_103 = arith.addi %scan3A_101, %scan3A_102 : i32
          %scan3A_104 = arith.constant 1 : i32
          scf.for %scan3A_106 = %scan3A_101 to %scan3A_103 step %scan3A_104  : i32 {
            %eq3A_107 = vector.broadcast %scan3A_106 : i32 to vector<16xi32>
            %eq3A_108 = arith.cmpi eq, %iota3A, %eq3A_107 : vector<16xi32>
            %broadcast_in_dim3A_109 = arith.constant 0 : i32
            %broadcast_in_dim3A_110 = vector.broadcast %broadcast_in_dim3A_109 : i32 to vector<16xi32>
            %gather3A_111 = tpu.vector_load_idx %arg10[%broadcast_in_dim3A_110, %get3A_71] : memref<4x10000xf32, #tpu.memory_space<vmem>>[vector<16xi32>, vector<16xi32>], vector<16xf32>,
            %gather3A_112 = tpu.vector_load_idx %arg11[%get3A_75] : memref<10000xf32, #tpu.memory_space<vmem>>[vector<16xi32>], vector<16xf32>,
            %max3A_113 = arith.maximumf %gather3A_112, %gather3A_111 : vector<16xf32>
            tpu.vector_store_idx %arg11[%get3A_75], %max3A_113 masked %eq3A_108 : memref<10000xf32, #tpu.memory_space<vmem>>[vector<16xi32>], vector<16xf32>, vector<16xi1>
            %broadcast_in_dim3A_114 = arith.constant 1 : i32
            %broadcast_in_dim3A_115 = vector.broadcast %broadcast_in_dim3A_114 : i32 to vector<16xi32>
            %gather3A_116 = tpu.vector_load_idx %arg10[%broadcast_in_dim3A_115, %get3A_71] : memref<4x10000xf32, #tpu.memory_space<vmem>>[vector<16xi32>, vector<16xi32>], vector<16xf32>,
            %gather3A_117 = tpu.vector_load_idx %arg12[%get3A_75] : memref<10000xf32, #tpu.memory_space<vmem>>[vector<16xi32>], vector<16xf32>,
            %max3A_118 = arith.maximumf %gather3A_117, %gather3A_116 : vector<16xf32>
            tpu.vector_store_idx %arg12[%get3A_75], %max3A_118 masked %eq3A_108 : memref<10000xf32, #tpu.memory_space<vmem>>[vector<16xi32>], vector<16xf32>, vector<16xi1>
            %broadcast_in_dim3A_119 = arith.constant 2 : i32
            %broadcast_in_dim3A_120 = vector.broadcast %broadcast_in_dim3A_119 : i32 to vector<16xi32>
            %gather3A_121 = tpu.vector_load_idx %arg10[%broadcast_in_dim3A_120, %get3A_71] : memref<4x10000xf32, #tpu.memory_space<vmem>>[vector<16xi32>, vector<16xi32>], vector<16xf32>,
            %gather3A_122 = tpu.vector_load_idx %arg13[%get3A_75] : memref<10000xf32, #tpu.memory_space<vmem>>[vector<16xi32>], vector<16xf32>,
            %max3A_123 = arith.maximumf %gather3A_122, %gather3A_121 : vector<16xf32>
            tpu.vector_store_idx %arg13[%get3A_75], %max3A_123 masked %eq3A_108 : memref<10000xf32, #tpu.memory_space<vmem>>[vector<16xi32>], vector<16xf32>, vector<16xi1>
            %broadcast_in_dim3A_124 = arith.constant 3 : i32
            %broadcast_in_dim3A_125 = vector.broadcast %broadcast_in_dim3A_124 : i32 to vector<16xi32>
            %gather3A_126 = tpu.vector_load_idx %arg10[%broadcast_in_dim3A_125, %get3A_71] : memref<4x10000xf32, #tpu.memory_space<vmem>>[vector<16xi32>, vector<16xi32>], vector<16xf32>,
            %gather3A_127 = tpu.vector_load_idx %arg14[%get3A_75] : memref<10000xf32, #tpu.memory_space<vmem>>[vector<16xi32>], vector<16xf32>,
            %max3A_128 = arith.maximumf %gather3A_127, %gather3A_126 : vector<16xf32>
            tpu.vector_store_idx %arg14[%get3A_75], %max3A_128 masked %eq3A_108 : memref<10000xf32, #tpu.memory_space<vmem>>[vector<16xi32>], vector<16xf32>, vector<16xi1>
          }
          %scan3A_105 = arith.constant 16 : i32
        } else {
        }
      }
      %scan3A_48 = arith.constant 500 : i32
      %add3A_49 = arith.constant 2 : i32
      %add3A_50 = arith.addi %mul3A_25, %add3A_49 : i32
      %lt3A = arith.constant 40 : i32
      %lt3A_51 = arith.cmpi slt, %add3A_50, %lt3A : i32
      %convert_element_type3A = arith.extui %lt3A_51 : i1 to i32
      %cond3A = arith.constant 0 : i32
      %cond3A_52 = arith.cmpi ne, %convert_element_type3A, %cond3A : i32
      scf.if %cond3A_52 {
        %add3A_68 = arith.constant 2 : i32
        %add3A_69 = arith.addi %mul3A_25, %add3A_68 : i32
        %mul3A_70 = arith.constant 8000 : i32
        %mul3A_71 = arith.muli %add3A_69, %mul3A_70 : i32
        %dma_start3A_72 = tpu.memref_slice %arg3[%mul3A_71] : memref<320000xi32, #tpu.memory_space<hbm>> -> memref<8000xi32, #tpu.memory_space<hbm>>
        %dma_start3A_73 = tpu.memref_slice %arg3[%mul3A_71] : memref<320000xi32, #tpu.memory_space<hbm>> -> memref<8000xi32, #tpu.memory_space<hbm>>
        tpu.enqueue_dma source(%dma_start3A_73 : memref<8000xi32, #tpu.memory_space<hbm>>) target(%arg6 : memref<8000xi32, #tpu.memory_space<vmem>>) target_semaphore(%arg16 : memref<!tpu.dma_semaphore, #tpu.memory_space<semaphore_mem>>)
        %mul3A_74 = arith.constant 8000 : i32
        %mul3A_75 = arith.muli %add3A_69, %mul3A_74 : i32
        %dma_start3A_76 = tpu.memref_slice %arg4[%mul3A_75] : memref<320000xi32, #tpu.memory_space<hbm>> -> memref<8000xi32, #tpu.memory_space<hbm>>
        %dma_start3A_77 = tpu.memref_slice %arg4[%mul3A_75] : memref<320000xi32, #tpu.memory_space<hbm>> -> memref<8000xi32, #tpu.memory_space<hbm>>
        tpu.enqueue_dma source(%dma_start3A_77 : memref<8000xi32, #tpu.memory_space<hbm>>) target(%arg7 : memref<8000xi32, #tpu.memory_space<vmem>>) target_semaphore(%arg16 : memref<!tpu.dma_semaphore, #tpu.memory_space<semaphore_mem>>)
      } else {
      }
      %dma_wait3A_53 = arith.constant 0 : i32
      %dma_wait3A_54 = tpu.memref_slice %arg3[%dma_wait3A_53] : memref<320000xi32, #tpu.memory_space<hbm>> -> memref<8000xi32, #tpu.memory_space<hbm>>
      %dma_wait3A_55 = arith.constant 0 : i32
      %dma_wait3A_56 = tpu.memref_slice %arg3[%dma_wait3A_55] : memref<320000xi32, #tpu.memory_space<hbm>> -> memref<8000xi32, #tpu.memory_space<hbm>>
      tpu.wait_dma2 semaphore(%arg17 : memref<!tpu.dma_semaphore, #tpu.memory_space<semaphore_mem>>) src(%dma_wait3A_56 : memref<8000xi32, #tpu.memory_space<hbm>>) dst(%arg8 : memref<8000xi32, #tpu.memory_space<vmem>>)
      %dma_wait3A_57 = arith.constant 0 : i32
      %dma_wait3A_58 = tpu.memref_slice %arg4[%dma_wait3A_57] : memref<320000xi32, #tpu.memory_space<hbm>> -> memref<8000xi32, #tpu.memory_space<hbm>>
      %dma_wait3A_59 = arith.constant 0 : i32
      %dma_wait3A_60 = tpu.memref_slice %arg4[%dma_wait3A_59] : memref<320000xi32, #tpu.memory_space<hbm>> -> memref<8000xi32, #tpu.memory_space<hbm>>
      tpu.wait_dma2 semaphore(%arg17 : memref<!tpu.dma_semaphore, #tpu.memory_space<semaphore_mem>>) src(%dma_wait3A_60 : memref<8000xi32, #tpu.memory_space<hbm>>) dst(%arg9 : memref<8000xi32, #tpu.memory_space<vmem>>)
      %iota3A_61 = tpu.iota {dimensions = array<i32: 0>} : vector<16xi32>
      %scan3A_62 = arith.constant 0 : i32
      %scan3A_63 = arith.constant 0 : i32
      %scan3A_64 = arith.constant 500 : i32
      %scan3A_65 = arith.addi %scan3A_63, %scan3A_64 : i32
      %scan3A_66 = arith.constant 1 : i32
      scf.for %scan3A_68 = %scan3A_63 to %scan3A_65 step %scan3A_66  : i32 {
        %mul3A_69 = arith.constant 16 : i32
        %mul3A_70 = arith.muli %scan3A_68, %mul3A_69 : i32
        %get3A = arith.index_cast %mul3A_70 : i32 to index
        %get3A_71 = tpu.vector_load %arg8[%get3A] {strides = array<i32>} : memref<8000xi32, #tpu.memory_space<vmem>>, vector<16xi32>,
        %mul3A_72 = arith.constant 16 : i32
        %mul3A_73 = arith.muli %scan3A_68, %mul3A_72 : i32
        %get3A_74 = arith.index_cast %mul3A_73 : i32 to index
        %get3A_75 = tpu.vector_load %arg9[%get3A_74] {strides = array<i32>} : memref<8000xi32, #tpu.memory_space<vmem>>, vector<16xi32>,
        tpu.vector_store_idx %arg15[%get3A_75], %iota3A_61 : memref<10000xi32, #tpu.memory_space<vmem>>[vector<16xi32>], vector<16xi32>,
        %gather3A = tpu.vector_load_idx %arg15[%get3A_75] : memref<10000xi32, #tpu.memory_space<vmem>>[vector<16xi32>], vector<16xi32>,
        %broadcast_in_dim3A_76 = arith.constant 0 : i32
        %broadcast_in_dim3A_77 = vector.broadcast %broadcast_in_dim3A_76 : i32 to vector<16xi32>
        %gather3A_78 = tpu.vector_load_idx %arg10[%broadcast_in_dim3A_77, %get3A_71] : memref<4x10000xf32, #tpu.memory_space<vmem>>[vector<16xi32>, vector<16xi32>], vector<16xf32>,
        %gather3A_79 = tpu.vector_load_idx %arg11[%get3A_75] : memref<10000xf32, #tpu.memory_space<vmem>>[vector<16xi32>], vector<16xf32>,
        %max3A = arith.maximumf %gather3A_79, %gather3A_78 : vector<16xf32>
        tpu.vector_store_idx %arg11[%get3A_75], %max3A : memref<10000xf32, #tpu.memory_space<vmem>>[vector<16xi32>], vector<16xf32>,
        %broadcast_in_dim3A_80 = arith.constant 1 : i32
        %broadcast_in_dim3A_81 = vector.broadcast %broadcast_in_dim3A_80 : i32 to vector<16xi32>
        %gather3A_82 = tpu.vector_load_idx %arg10[%broadcast_in_dim3A_81, %get3A_71] : memref<4x10000xf32, #tpu.memory_space<vmem>>[vector<16xi32>, vector<16xi32>], vector<16xf32>,
        %gather3A_83 = tpu.vector_load_idx %arg12[%get3A_75] : memref<10000xf32, #tpu.memory_space<vmem>>[vector<16xi32>], vector<16xf32>,
        %max3A_84 = arith.maximumf %gather3A_83, %gather3A_82 : vector<16xf32>
        tpu.vector_store_idx %arg12[%get3A_75], %max3A_84 : memref<10000xf32, #tpu.memory_space<vmem>>[vector<16xi32>], vector<16xf32>,
        %broadcast_in_dim3A_85 = arith.constant 2 : i32
        %broadcast_in_dim3A_86 = vector.broadcast %broadcast_in_dim3A_85 : i32 to vector<16xi32>
        %gather3A_87 = tpu.vector_load_idx %arg10[%broadcast_in_dim3A_86, %get3A_71] : memref<4x10000xf32, #tpu.memory_space<vmem>>[vector<16xi32>, vector<16xi32>], vector<16xf32>,
        %gather3A_88 = tpu.vector_load_idx %arg13[%get3A_75] : memref<10000xf32, #tpu.memory_space<vmem>>[vector<16xi32>], vector<16xf32>,
        %max3A_89 = arith.maximumf %gather3A_88, %gather3A_87 : vector<16xf32>
        tpu.vector_store_idx %arg13[%get3A_75], %max3A_89 : memref<10000xf32, #tpu.memory_space<vmem>>[vector<16xi32>], vector<16xf32>,
        %broadcast_in_dim3A_90 = arith.constant 3 : i32
        %broadcast_in_dim3A_91 = vector.broadcast %broadcast_in_dim3A_90 : i32 to vector<16xi32>
        %gather3A_92 = tpu.vector_load_idx %arg10[%broadcast_in_dim3A_91, %get3A_71] : memref<4x10000xf32, #tpu.memory_space<vmem>>[vector<16xi32>, vector<16xi32>], vector<16xf32>,
        %gather3A_93 = tpu.vector_load_idx %arg14[%get3A_75] : memref<10000xf32, #tpu.memory_space<vmem>>[vector<16xi32>], vector<16xf32>,
        %max3A_94 = arith.maximumf %gather3A_93, %gather3A_92 : vector<16xf32>
        tpu.vector_store_idx %arg14[%get3A_75], %max3A_94 : memref<10000xf32, #tpu.memory_space<vmem>>[vector<16xi32>], vector<16xf32>,
        %eq3A = arith.cmpi eq, %gather3A, %iota3A_61 : vector<16xi32>
        %all_reduce_population_count3A = tpu.all_reduce %eq3A {dim = 0 : i64, kind = #tpu.reduction_kind<sum>} : vector<16xi1> -> vector<16xi32>
        %slice3A = vector.extract_strided_slice %all_reduce_population_count3A {offsets = [0], sizes = [1], strides = [1]} : vector<16xi32> to vector<1xi32>
        %squeeze3A = vector.extract %slice3A[0] : i32 from vector<1xi32>
        %lt3A_95 = arith.constant 16 : i32
        %lt3A_96 = arith.cmpi slt, %squeeze3A, %lt3A_95 : i32
        %convert_element_type3A_97 = arith.extui %lt3A_96 : i1 to i32
        %cond3A_98 = arith.constant 0 : i32
        %cond3A_99 = arith.cmpi ne, %convert_element_type3A_97, %cond3A_98 : i32
        scf.if %cond3A_99 {
          %scan3A_100 = arith.constant 0 : i32
          %scan3A_101 = arith.constant 0 : i32
          %scan3A_102 = arith.constant 16 : i32
          %scan3A_103 = arith.addi %scan3A_101, %scan3A_102 : i32
          %scan3A_104 = arith.constant 1 : i32
          scf.for %scan3A_106 = %scan3A_101 to %scan3A_103 step %scan3A_104  : i32 {
            %eq3A_107 = vector.broadcast %scan3A_106 : i32 to vector<16xi32>
            %eq3A_108 = arith.cmpi eq, %iota3A_61, %eq3A_107 : vector<16xi32>
            %broadcast_in_dim3A_109 = arith.constant 0 : i32
            %broadcast_in_dim3A_110 = vector.broadcast %broadcast_in_dim3A_109 : i32 to vector<16xi32>
            %gather3A_111 = tpu.vector_load_idx %arg10[%broadcast_in_dim3A_110, %get3A_71] : memref<4x10000xf32, #tpu.memory_space<vmem>>[vector<16xi32>, vector<16xi32>], vector<16xf32>,
            %gather3A_112 = tpu.vector_load_idx %arg11[%get3A_75] : memref<10000xf32, #tpu.memory_space<vmem>>[vector<16xi32>], vector<16xf32>,
            %max3A_113 = arith.maximumf %gather3A_112, %gather3A_111 : vector<16xf32>
            tpu.vector_store_idx %arg11[%get3A_75], %max3A_113 masked %eq3A_108 : memref<10000xf32, #tpu.memory_space<vmem>>[vector<16xi32>], vector<16xf32>, vector<16xi1>
            %broadcast_in_dim3A_114 = arith.constant 1 : i32
            %broadcast_in_dim3A_115 = vector.broadcast %broadcast_in_dim3A_114 : i32 to vector<16xi32>
            %gather3A_116 = tpu.vector_load_idx %arg10[%broadcast_in_dim3A_115, %get3A_71] : memref<4x10000xf32, #tpu.memory_space<vmem>>[vector<16xi32>, vector<16xi32>], vector<16xf32>,
            %gather3A_117 = tpu.vector_load_idx %arg12[%get3A_75] : memref<10000xf32, #tpu.memory_space<vmem>>[vector<16xi32>], vector<16xf32>,
            %max3A_118 = arith.maximumf %gather3A_117, %gather3A_116 : vector<16xf32>
            tpu.vector_store_idx %arg12[%get3A_75], %max3A_118 masked %eq3A_108 : memref<10000xf32, #tpu.memory_space<vmem>>[vector<16xi32>], vector<16xf32>, vector<16xi1>
            %broadcast_in_dim3A_119 = arith.constant 2 : i32
            %broadcast_in_dim3A_120 = vector.broadcast %broadcast_in_dim3A_119 : i32 to vector<16xi32>
            %gather3A_121 = tpu.vector_load_idx %arg10[%broadcast_in_dim3A_120, %get3A_71] : memref<4x10000xf32, #tpu.memory_space<vmem>>[vector<16xi32>, vector<16xi32>], vector<16xf32>,
            %gather3A_122 = tpu.vector_load_idx %arg13[%get3A_75] : memref<10000xf32, #tpu.memory_space<vmem>>[vector<16xi32>], vector<16xf32>,
            %max3A_123 = arith.maximumf %gather3A_122, %gather3A_121 : vector<16xf32>
            tpu.vector_store_idx %arg13[%get3A_75], %max3A_123 masked %eq3A_108 : memref<10000xf32, #tpu.memory_space<vmem>>[vector<16xi32>], vector<16xf32>, vector<16xi1>
            %broadcast_in_dim3A_124 = arith.constant 3 : i32
            %broadcast_in_dim3A_125 = vector.broadcast %broadcast_in_dim3A_124 : i32 to vector<16xi32>
            %gather3A_126 = tpu.vector_load_idx %arg10[%broadcast_in_dim3A_125, %get3A_71] : memref<4x10000xf32, #tpu.memory_space<vmem>>[vector<16xi32>, vector<16xi32>], vector<16xf32>,
            %gather3A_127 = tpu.vector_load_idx %arg14[%get3A_75] : memref<10000xf32, #tpu.memory_space<vmem>>[vector<16xi32>], vector<16xf32>,
            %max3A_128 = arith.maximumf %gather3A_127, %gather3A_126 : vector<16xf32>
            tpu.vector_store_idx %arg14[%get3A_75], %max3A_128 masked %eq3A_108 : memref<10000xf32, #tpu.memory_space<vmem>>[vector<16xi32>], vector<16xf32>, vector<16xi1>
          }
          %scan3A_105 = arith.constant 16 : i32
        } else {
        }
      }
      %scan3A_67 = arith.constant 500 : i32
    }
    %scan3A_19 = arith.constant 20 : i32
    %run_scoped3A = arith.constant 0 : i32
    "tpu.region"() ({
      %run_scoped3A_23 = tpu.sem_alloc : memref<!tpu.dma_semaphore, #tpu.memory_space<semaphore_mem>>
      %dma_start3A_24 = arith.constant 0 : i32
      %dma_start3A_25 = tpu.memref_slice %arg5[%add3A, %run_scoped3A, %dma_start3A_24] : memref<32x4x10000xf32, #tpu.memory_space<hbm>> -> memref<1x1x10000xf32, #tpu.memory_space<hbm>>
      %dma_start3A_26 = tpu.memref_squeeze %dma_start3A_25 : memref<1x1x10000xf32, #tpu.memory_space<hbm>> -> memref<10000xf32, #tpu.memory_space<hbm>>
      %dma_start3A_27 = arith.constant 0 : i32
      %dma_start3A_28 = tpu.memref_slice %arg5[%add3A, %run_scoped3A, %dma_start3A_27] : memref<32x4x10000xf32, #tpu.memory_space<hbm>> -> memref<1x1x10000xf32, #tpu.memory_space<hbm>>
      %dma_start3A_29 = tpu.memref_squeeze %dma_start3A_28 : memref<1x1x10000xf32, #tpu.memory_space<hbm>> -> memref<10000xf32, #tpu.memory_space<hbm>>
      tpu.enqueue_dma source(%arg11 : memref<10000xf32, #tpu.memory_space<vmem>>) target(%dma_start3A_29 : memref<10000xf32, #tpu.memory_space<hbm>>) target_semaphore(%run_scoped3A_23 : memref<!tpu.dma_semaphore, #tpu.memory_space<semaphore_mem>>)
      %dma_wait3A = arith.constant 0 : i32
      %dma_wait3A_30 = tpu.memref_slice %arg5[%add3A, %run_scoped3A, %dma_wait3A] : memref<32x4x10000xf32, #tpu.memory_space<hbm>> -> memref<1x1x10000xf32, #tpu.memory_space<hbm>>
      %dma_wait3A_31 = tpu.memref_squeeze %dma_wait3A_30 : memref<1x1x10000xf32, #tpu.memory_space<hbm>> -> memref<10000xf32, #tpu.memory_space<hbm>>
      %dma_wait3A_32 = arith.constant 0 : i32
      %dma_wait3A_33 = tpu.memref_slice %arg5[%add3A, %run_scoped3A, %dma_wait3A_32] : memref<32x4x10000xf32, #tpu.memory_space<hbm>> -> memref<1x1x10000xf32, #tpu.memory_space<hbm>>
      %dma_wait3A_34 = tpu.memref_squeeze %dma_wait3A_33 : memref<1x1x10000xf32, #tpu.memory_space<hbm>> -> memref<10000xf32, #tpu.memory_space<hbm>>
      tpu.wait_dma2 semaphore(%run_scoped3A_23 : memref<!tpu.dma_semaphore, #tpu.memory_space<semaphore_mem>>) src(%arg11 : memref<10000xf32, #tpu.memory_space<vmem>>) dst(%dma_wait3A_34 : memref<10000xf32, #tpu.memory_space<hbm>>)
      tpu.yield
    }) : () -> ()
    %run_scoped3A_20 = arith.constant 1 : i32
    "tpu.region"() ({
      %run_scoped3A_23 = tpu.sem_alloc : memref<!tpu.dma_semaphore, #tpu.memory_space<semaphore_mem>>
      %dma_start3A_24 = arith.constant 0 : i32
      %dma_start3A_25 = tpu.memref_slice %arg5[%add3A, %run_scoped3A_20, %dma_start3A_24] : memref<32x4x10000xf32, #tpu.memory_space<hbm>> -> memref<1x1x10000xf32, #tpu.memory_space<hbm>>
      %dma_start3A_26 = tpu.memref_squeeze %dma_start3A_25 : memref<1x1x10000xf32, #tpu.memory_space<hbm>> -> memref<10000xf32, #tpu.memory_space<hbm>>
      %dma_start3A_27 = arith.constant 0 : i32
      %dma_start3A_28 = tpu.memref_slice %arg5[%add3A, %run_scoped3A_20, %dma_start3A_27] : memref<32x4x10000xf32, #tpu.memory_space<hbm>> -> memref<1x1x10000xf32, #tpu.memory_space<hbm>>
      %dma_start3A_29 = tpu.memref_squeeze %dma_start3A_28 : memref<1x1x10000xf32, #tpu.memory_space<hbm>> -> memref<10000xf32, #tpu.memory_space<hbm>>
      tpu.enqueue_dma source(%arg12 : memref<10000xf32, #tpu.memory_space<vmem>>) target(%dma_start3A_29 : memref<10000xf32, #tpu.memory_space<hbm>>) target_semaphore(%run_scoped3A_23 : memref<!tpu.dma_semaphore, #tpu.memory_space<semaphore_mem>>)
      %dma_wait3A = arith.constant 0 : i32
      %dma_wait3A_30 = tpu.memref_slice %arg5[%add3A, %run_scoped3A_20, %dma_wait3A] : memref<32x4x10000xf32, #tpu.memory_space<hbm>> -> memref<1x1x10000xf32, #tpu.memory_space<hbm>>
      %dma_wait3A_31 = tpu.memref_squeeze %dma_wait3A_30 : memref<1x1x10000xf32, #tpu.memory_space<hbm>> -> memref<10000xf32, #tpu.memory_space<hbm>>
      %dma_wait3A_32 = arith.constant 0 : i32
      %dma_wait3A_33 = tpu.memref_slice %arg5[%add3A, %run_scoped3A_20, %dma_wait3A_32] : memref<32x4x10000xf32, #tpu.memory_space<hbm>> -> memref<1x1x10000xf32, #tpu.memory_space<hbm>>
      %dma_wait3A_34 = tpu.memref_squeeze %dma_wait3A_33 : memref<1x1x10000xf32, #tpu.memory_space<hbm>> -> memref<10000xf32, #tpu.memory_space<hbm>>
      tpu.wait_dma2 semaphore(%run_scoped3A_23 : memref<!tpu.dma_semaphore, #tpu.memory_space<semaphore_mem>>) src(%arg12 : memref<10000xf32, #tpu.memory_space<vmem>>) dst(%dma_wait3A_34 : memref<10000xf32, #tpu.memory_space<hbm>>)
      tpu.yield
    }) : () -> ()
    %run_scoped3A_21 = arith.constant 2 : i32
    "tpu.region"() ({
      %run_scoped3A_23 = tpu.sem_alloc : memref<!tpu.dma_semaphore, #tpu.memory_space<semaphore_mem>>
      %dma_start3A_24 = arith.constant 0 : i32
      %dma_start3A_25 = tpu.memref_slice %arg5[%add3A, %run_scoped3A_21, %dma_start3A_24] : memref<32x4x10000xf32, #tpu.memory_space<hbm>> -> memref<1x1x10000xf32, #tpu.memory_space<hbm>>
      %dma_start3A_26 = tpu.memref_squeeze %dma_start3A_25 : memref<1x1x10000xf32, #tpu.memory_space<hbm>> -> memref<10000xf32, #tpu.memory_space<hbm>>
      %dma_start3A_27 = arith.constant 0 : i32
      %dma_start3A_28 = tpu.memref_slice %arg5[%add3A, %run_scoped3A_21, %dma_start3A_27] : memref<32x4x10000xf32, #tpu.memory_space<hbm>> -> memref<1x1x10000xf32, #tpu.memory_space<hbm>>
      %dma_start3A_29 = tpu.memref_squeeze %dma_start3A_28 : memref<1x1x10000xf32, #tpu.memory_space<hbm>> -> memref<10000xf32, #tpu.memory_space<hbm>>
      tpu.enqueue_dma source(%arg13 : memref<10000xf32, #tpu.memory_space<vmem>>) target(%dma_start3A_29 : memref<10000xf32, #tpu.memory_space<hbm>>) target_semaphore(%run_scoped3A_23 : memref<!tpu.dma_semaphore, #tpu.memory_space<semaphore_mem>>)
      %dma_wait3A = arith.constant 0 : i32
      %dma_wait3A_30 = tpu.memref_slice %arg5[%add3A, %run_scoped3A_21, %dma_wait3A] : memref<32x4x10000xf32, #tpu.memory_space<hbm>> -> memref<1x1x10000xf32, #tpu.memory_space<hbm>>
      %dma_wait3A_31 = tpu.memref_squeeze %dma_wait3A_30 : memref<1x1x10000xf32, #tpu.memory_space<hbm>> -> memref<10000xf32, #tpu.memory_space<hbm>>
      %dma_wait3A_32 = arith.constant 0 : i32
      %dma_wait3A_33 = tpu.memref_slice %arg5[%add3A, %run_scoped3A_21, %dma_wait3A_32] : memref<32x4x10000xf32, #tpu.memory_space<hbm>> -> memref<1x1x10000xf32, #tpu.memory_space<hbm>>
      %dma_wait3A_34 = tpu.memref_squeeze %dma_wait3A_33 : memref<1x1x10000xf32, #tpu.memory_space<hbm>> -> memref<10000xf32, #tpu.memory_space<hbm>>
      tpu.wait_dma2 semaphore(%run_scoped3A_23 : memref<!tpu.dma_semaphore, #tpu.memory_space<semaphore_mem>>) src(%arg13 : memref<10000xf32, #tpu.memory_space<vmem>>) dst(%dma_wait3A_34 : memref<10000xf32, #tpu.memory_space<hbm>>)
      tpu.yield
    }) : () -> ()
    %run_scoped3A_22 = arith.constant 3 : i32
    "tpu.region"() ({
      %run_scoped3A_23 = tpu.sem_alloc : memref<!tpu.dma_semaphore, #tpu.memory_space<semaphore_mem>>
      %dma_start3A_24 = arith.constant 0 : i32
      %dma_start3A_25 = tpu.memref_slice %arg5[%add3A, %run_scoped3A_22, %dma_start3A_24] : memref<32x4x10000xf32, #tpu.memory_space<hbm>> -> memref<1x1x10000xf32, #tpu.memory_space<hbm>>
      %dma_start3A_26 = tpu.memref_squeeze %dma_start3A_25 : memref<1x1x10000xf32, #tpu.memory_space<hbm>> -> memref<10000xf32, #tpu.memory_space<hbm>>
      %dma_start3A_27 = arith.constant 0 : i32
      %dma_start3A_28 = tpu.memref_slice %arg5[%add3A, %run_scoped3A_22, %dma_start3A_27] : memref<32x4x10000xf32, #tpu.memory_space<hbm>> -> memref<1x1x10000xf32, #tpu.memory_space<hbm>>
      %dma_start3A_29 = tpu.memref_squeeze %dma_start3A_28 : memref<1x1x10000xf32, #tpu.memory_space<hbm>> -> memref<10000xf32, #tpu.memory_space<hbm>>
      tpu.enqueue_dma source(%arg14 : memref<10000xf32, #tpu.memory_space<vmem>>) target(%dma_start3A_29 : memref<10000xf32, #tpu.memory_space<hbm>>) target_semaphore(%run_scoped3A_23 : memref<!tpu.dma_semaphore, #tpu.memory_space<semaphore_mem>>)
      %dma_wait3A = arith.constant 0 : i32
      %dma_wait3A_30 = tpu.memref_slice %arg5[%add3A, %run_scoped3A_22, %dma_wait3A] : memref<32x4x10000xf32, #tpu.memory_space<hbm>> -> memref<1x1x10000xf32, #tpu.memory_space<hbm>>
      %dma_wait3A_31 = tpu.memref_squeeze %dma_wait3A_30 : memref<1x1x10000xf32, #tpu.memory_space<hbm>> -> memref<10000xf32, #tpu.memory_space<hbm>>
      %dma_wait3A_32 = arith.constant 0 : i32
      %dma_wait3A_33 = tpu.memref_slice %arg5[%add3A, %run_scoped3A_22, %dma_wait3A_32] : memref<32x4x10000xf32, #tpu.memory_space<hbm>> -> memref<1x1x10000xf32, #tpu.memory_space<hbm>>
      %dma_wait3A_34 = tpu.memref_squeeze %dma_wait3A_33 : memref<1x1x10000xf32, #tpu.memory_space<hbm>> -> memref<10000xf32, #tpu.memory_space<hbm>>
      tpu.wait_dma2 semaphore(%run_scoped3A_23 : memref<!tpu.dma_semaphore, #tpu.memory_space<semaphore_mem>>) src(%arg14 : memref<10000xf32, #tpu.memory_space<vmem>>) dst(%dma_wait3A_34 : memref<10000xf32, #tpu.memory_space<hbm>>)
      tpu.yield
    }) : () -> ()
    return
  }
}

module attributes {stable_mosaic.version = 14 : i64} {
  func.func @_pool_body(%arg0: i32, %arg1: memref<1000x128xf32, #tpu.memory_space<vmem>>, %arg2: memref<128x128xf32, #tpu.memory_space<vmem>>, %arg3: memref<1x128xf32, #tpu.memory_space<vmem>>, %arg4: memref<1000x128xf32, #tpu.memory_space<vmem>>) attributes {dimension_semantics = [#tpu.dimension_semantics<arbitrary>], iteration_bounds = array<i64: 10>, scalar_prefetch = 0 : i64, scratch_operands = 0 : i64, tpu.core_type = #tpu.core_type<tc>, window_params = [{transform_indices = @transform_0, window_bounds = array<i64: 1000, 128>}, {pipeline_mode = #tpu.pipeline_mode<synchronous>, transform_indices = @transform_1, window_bounds = array<i64: 128, 128>}, {pipeline_mode = #tpu.pipeline_mode<synchronous>, transform_indices = @transform_2, window_bounds = array<i64: 1, 128>}, {transform_indices = @transform_3, window_bounds = array<i64: 1000, 128>}]} {
    %get3A = arith.constant 0 : index
    %get3A_0 = arith.constant 0 : index
    %get3A_1 = vector.load %arg1[%get3A, %get3A_0] : memref<1000x128xf32, #tpu.memory_space<vmem>>, vector<1000x128xf32>
    %get3A_2 = arith.constant 0 : index
    %get3A_3 = arith.constant 0 : index
    %get3A_4 = vector.load %arg2[%get3A_2, %get3A_3] : memref<128x128xf32, #tpu.memory_space<vmem>>, vector<128x128xf32>
    %dot_general3A = arith.constant dense<0.000000e+00> : vector<1000x128xf32>
    %dot_general3A_5 = tpu.matmul %get3A_1, %get3A_4, %dot_general3A {dimension_numbers = #tpu.dot_dimension_numbers<[1], [0], [0], [1], [0, 0, 1, 1], [], []>, transpose_lhs_hint = false} : vector<1000x128xf32>, vector<128x128xf32>, vector<1000x128xf32> -> vector<1000x128xf32>
    %get3A_6 = arith.constant 0 : index
    %get3A_7 = arith.constant 0 : index
    %get3A_8 = vector.load %arg3[%get3A_6, %get3A_7] : memref<1x128xf32, #tpu.memory_space<vmem>>, vector<1x128xf32>
    %add3A = vector.broadcast %get3A_8 : vector<1x128xf32> to vector<1000x128xf32>
    %add3A_9 = arith.addf %dot_general3A_5, %add3A : vector<1000x128xf32>
    %max3A = arith.constant 0.000000e+00 : f32
    %max3A_10 = vector.broadcast %max3A : f32 to vector<1000x128xf32>
    %max3A_11 = arith.maximumf %add3A_9, %max3A_10 : vector<1000x128xf32>
    %swap3A = arith.constant 0 : index
    %swap3A_12 = arith.constant 0 : index
    %swap3A_13 = vector.load %arg4[%swap3A, %swap3A_12] : memref<1000x128xf32, #tpu.memory_space<vmem>>, vector<1000x128xf32>
    tpu.vector_store %arg4[%swap3A, %swap3A_12], %max3A_11 {strides = array<i32>} : memref<1000x128xf32, #tpu.memory_space<vmem>>, vector<1000x128xf32>,
    return
  }
  func.func @transform_0(%arg0: i32) -> (i32, i32) {
    %c0_i32 = arith.constant 0 : i32
    %c0_i32_0 = arith.constant 0 : i32
    return %arg0, %c0_i32 : i32, i32
  }
  func.func @transform_1(%arg0: i32) -> (i32, i32) {
    %c0_i32 = arith.constant 0 : i32
    %c0_i32_0 = arith.constant 0 : i32
    %c0_i32_1 = arith.constant 0 : i32
    return %c0_i32, %c0_i32_0 : i32, i32
  }
  func.func @transform_2(%arg0: i32) -> (i32, i32) {
    %c0_i32 = arith.constant 0 : i32
    %c0_i32_0 = arith.constant 0 : i32
    %c0_i32_1 = arith.constant 0 : i32
    return %c0_i32, %c0_i32_0 : i32, i32
  }
  func.func @transform_3(%arg0: i32) -> (i32, i32) {
    %c0_i32 = arith.constant 0 : i32
    %c0_i32_0 = arith.constant 0 : i32
    return %arg0, %c0_i32 : i32, i32
  }
}

module attributes {stable_mosaic.version = 14 : i64} {
  func.func @_head_body(%arg0: i32, %arg1: memref<1000x128xf32, #tpu.memory_space<vmem>>, %arg2: memref<1000x128xf32, #tpu.memory_space<vmem>>, %arg3: memref<128x128xf32, #tpu.memory_space<vmem>>, %arg4: memref<128x128xf32, #tpu.memory_space<vmem>>, %arg5: memref<1x128xf32, #tpu.memory_space<vmem>>, %arg6: memref<128x64xf32, #tpu.memory_space<vmem>>, %arg7: memref<1x64xf32, #tpu.memory_space<vmem>>, %arg8: memref<64x8xf32, #tpu.memory_space<vmem>>, %arg9: memref<1x8xf32, #tpu.memory_space<vmem>>, %arg10: memref<1000x8xf32, #tpu.memory_space<vmem>>) attributes {dimension_semantics = [#tpu.dimension_semantics<arbitrary>], iteration_bounds = array<i64: 10>, scalar_prefetch = 0 : i64, scratch_operands = 0 : i64, tpu.core_type = #tpu.core_type<tc>, window_params = [{transform_indices = @transform_0, window_bounds = array<i64: 1000, 128>}, {transform_indices = @transform_1, window_bounds = array<i64: 1000, 128>}, {pipeline_mode = #tpu.pipeline_mode<synchronous>, transform_indices = @transform_2, window_bounds = array<i64: 128, 128>}, {pipeline_mode = #tpu.pipeline_mode<synchronous>, transform_indices = @transform_3, window_bounds = array<i64: 128, 128>}, {pipeline_mode = #tpu.pipeline_mode<synchronous>, transform_indices = @transform_4, window_bounds = array<i64: 1, 128>}, {pipeline_mode = #tpu.pipeline_mode<synchronous>, transform_indices = @transform_5, window_bounds = array<i64: 128, 64>}, {pipeline_mode = #tpu.pipeline_mode<synchronous>, transform_indices = @transform_6, window_bounds = array<i64: 1, 64>}, {pipeline_mode = #tpu.pipeline_mode<synchronous>, transform_indices = @transform_7, window_bounds = array<i64: 64, 8>}, {pipeline_mode = #tpu.pipeline_mode<synchronous>, transform_indices = @transform_8, window_bounds = array<i64: 1, 8>}, {transform_indices = @transform_9, window_bounds = array<i64: 1000, 8>}]} {
    %get3A = arith.constant 0 : index
    %get3A_0 = arith.constant 0 : index
    %get3A_1 = vector.load %arg2[%get3A, %get3A_0] : memref<1000x128xf32, #tpu.memory_space<vmem>>, vector<1000x128xf32>
    %get3A_2 = arith.constant 0 : index
    %get3A_3 = arith.constant 0 : index
    %get3A_4 = vector.load %arg4[%get3A_2, %get3A_3] : memref<128x128xf32, #tpu.memory_space<vmem>>, vector<128x128xf32>
    %dot_general3A = arith.constant dense<0.000000e+00> : vector<1000x128xf32>
    %dot_general3A_5 = tpu.matmul %get3A_1, %get3A_4, %dot_general3A {dimension_numbers = #tpu.dot_dimension_numbers<[1], [0], [0], [1], [0, 0, 1, 1], [], []>, transpose_lhs_hint = false} : vector<1000x128xf32>, vector<128x128xf32>, vector<1000x128xf32> -> vector<1000x128xf32>
    %get3A_6 = arith.constant 0 : index
    %get3A_7 = arith.constant 0 : index
    %get3A_8 = vector.load %arg1[%get3A_6, %get3A_7] : memref<1000x128xf32, #tpu.memory_space<vmem>>, vector<1000x128xf32>
    %get3A_9 = arith.constant 0 : index
    %get3A_10 = arith.constant 0 : index
    %get3A_11 = vector.load %arg3[%get3A_9, %get3A_10] : memref<128x128xf32, #tpu.memory_space<vmem>>, vector<128x128xf32>
    %dot_general3A_12 = arith.constant dense<0.000000e+00> : vector<1000x128xf32>
    %dot_general3A_13 = tpu.matmul %get3A_8, %get3A_11, %dot_general3A_12 {dimension_numbers = #tpu.dot_dimension_numbers<[1], [0], [0], [1], [0, 0, 1, 1], [], []>, transpose_lhs_hint = false} : vector<1000x128xf32>, vector<128x128xf32>, vector<1000x128xf32> -> vector<1000x128xf32>
    %add3A = arith.addf %dot_general3A_13, %dot_general3A_5 : vector<1000x128xf32>
    %get3A_14 = arith.constant 0 : index
    %get3A_15 = arith.constant 0 : index
    %get3A_16 = vector.load %arg5[%get3A_14, %get3A_15] : memref<1x128xf32, #tpu.memory_space<vmem>>, vector<1x128xf32>
    %add3A_17 = vector.broadcast %get3A_16 : vector<1x128xf32> to vector<1000x128xf32>
    %add3A_18 = arith.addf %add3A, %add3A_17 : vector<1000x128xf32>
    %ge3A = arith.constant 0.000000e+00 : f32
    %ge3A_19 = vector.broadcast %ge3A : f32 to vector<1000x128xf32>
    %ge3A_20 = arith.cmpf oge, %add3A_18, %ge3A_19 : vector<1000x128xf32>
    %mul3A = arith.constant 0.00999999977 : f32
    %mul3A_21 = vector.broadcast %mul3A : f32 to vector<1000x128xf32>
    %mul3A_22 = arith.mulf %mul3A_21, %add3A_18 : vector<1000x128xf32>
    %select_n3A = arith.select %ge3A_20, %add3A_18, %mul3A_22 : vector<1000x128xi1>, vector<1000x128xf32>
    %get3A_23 = arith.constant 0 : index
    %get3A_24 = arith.constant 0 : index
    %get3A_25 = vector.load %arg6[%get3A_23, %get3A_24] : memref<128x64xf32, #tpu.memory_space<vmem>>, vector<128x64xf32>
    %dot_general3A_26 = arith.constant dense<0.000000e+00> : vector<1000x64xf32>
    %dot_general3A_27 = tpu.matmul %select_n3A, %get3A_25, %dot_general3A_26 {dimension_numbers = #tpu.dot_dimension_numbers<[1], [0], [0], [1], [0, 0, 1, 1], [], []>, transpose_lhs_hint = false} : vector<1000x128xf32>, vector<128x64xf32>, vector<1000x64xf32> -> vector<1000x64xf32>
    %get3A_28 = arith.constant 0 : index
    %get3A_29 = arith.constant 0 : index
    %get3A_30 = vector.load %arg7[%get3A_28, %get3A_29] : memref<1x64xf32, #tpu.memory_space<vmem>>, vector<1x64xf32>
    %add3A_31 = vector.broadcast %get3A_30 : vector<1x64xf32> to vector<1000x64xf32>
    %add3A_32 = arith.addf %dot_general3A_27, %add3A_31 : vector<1000x64xf32>
    %ge3A_33 = arith.constant 0.000000e+00 : f32
    %ge3A_34 = vector.broadcast %ge3A_33 : f32 to vector<1000x64xf32>
    %ge3A_35 = arith.cmpf oge, %add3A_32, %ge3A_34 : vector<1000x64xf32>
    %mul3A_36 = arith.constant 0.00999999977 : f32
    %mul3A_37 = vector.broadcast %mul3A_36 : f32 to vector<1000x64xf32>
    %mul3A_38 = arith.mulf %mul3A_37, %add3A_32 : vector<1000x64xf32>
    %select_n3A_39 = arith.select %ge3A_35, %add3A_32, %mul3A_38 : vector<1000x64xi1>, vector<1000x64xf32>
    %get3A_40 = arith.constant 0 : index
    %get3A_41 = arith.constant 0 : index
    %get3A_42 = vector.load %arg8[%get3A_40, %get3A_41] : memref<64x8xf32, #tpu.memory_space<vmem>>, vector<64x8xf32>
    %dot_general3A_43 = arith.constant dense<0.000000e+00> : vector<1000x8xf32>
    %dot_general3A_44 = tpu.matmul %select_n3A_39, %get3A_42, %dot_general3A_43 {dimension_numbers = #tpu.dot_dimension_numbers<[1], [0], [0], [1], [0, 0, 1, 1], [], []>, transpose_lhs_hint = false} : vector<1000x64xf32>, vector<64x8xf32>, vector<1000x8xf32> -> vector<1000x8xf32>
    %get3A_45 = arith.constant 0 : index
    %get3A_46 = arith.constant 0 : index
    %get3A_47 = vector.load %arg9[%get3A_45, %get3A_46] : memref<1x8xf32, #tpu.memory_space<vmem>>, vector<1x8xf32>
    %add3A_48 = vector.broadcast %get3A_47 : vector<1x8xf32> to vector<1000x8xf32>
    %add3A_49 = arith.addf %dot_general3A_44, %add3A_48 : vector<1000x8xf32>
    %neg3A = arith.constant 0.000000e+00 : f32
    %neg3A_50 = vector.broadcast %neg3A : f32 to vector<1000x8xf32>
    %neg3A_51 = arith.subf %neg3A_50, %add3A_49 : vector<1000x8xf32>
    %exp3A = math.exp %neg3A_51 : vector<1000x8xf32>
    %add3A_52 = arith.constant 1.000000e+00 : f32
    %add3A_53 = vector.broadcast %add3A_52 : f32 to vector<1000x8xf32>
    %add3A_54 = arith.addf %add3A_53, %exp3A : vector<1000x8xf32>
    %div3A = arith.constant 1.000000e+00 : f32
    %div3A_55 = vector.broadcast %div3A : f32 to vector<1000x8xf32>
    %div3A_56 = arith.divf %div3A_55, %add3A_54 : vector<1000x8xf32>
    %swap3A = arith.constant 0 : index
    %swap3A_57 = arith.constant 0 : index
    %swap3A_58 = vector.load %arg10[%swap3A, %swap3A_57] : memref<1000x8xf32, #tpu.memory_space<vmem>>, vector<1000x8xf32>
    tpu.vector_store %arg10[%swap3A, %swap3A_57], %div3A_56 {strides = array<i32>} : memref<1000x8xf32, #tpu.memory_space<vmem>>, vector<1000x8xf32>,
    return
  }
  func.func @transform_0(%arg0: i32) -> (i32, i32) {
    %c0_i32 = arith.constant 0 : i32
    %c0_i32_0 = arith.constant 0 : i32
    return %arg0, %c0_i32 : i32, i32
  }
  func.func @transform_1(%arg0: i32) -> (i32, i32) {
    %c0_i32 = arith.constant 0 : i32
    %c0_i32_0 = arith.constant 0 : i32
    return %arg0, %c0_i32 : i32, i32
  }
  func.func @transform_2(%arg0: i32) -> (i32, i32) {
    %c0_i32 = arith.constant 0 : i32
    %c0_i32_0 = arith.constant 0 : i32
    %c0_i32_1 = arith.constant 0 : i32
    return %c0_i32, %c0_i32_0 : i32, i32
  }
  func.func @transform_3(%arg0: i32) -> (i32, i32) {
    %c0_i32 = arith.constant 0 : i32
    %c0_i32_0 = arith.constant 0 : i32
    %c0_i32_1 = arith.constant 0 : i32
    return %c0_i32, %c0_i32_0 : i32, i32
  }
  func.func @transform_4(%arg0: i32) -> (i32, i32) {
    %c0_i32 = arith.constant 0 : i32
    %c0_i32_0 = arith.constant 0 : i32
    %c0_i32_1 = arith.constant 0 : i32
    return %c0_i32, %c0_i32_0 : i32, i32
  }
  func.func @transform_5(%arg0: i32) -> (i32, i32) {
    %c0_i32 = arith.constant 0 : i32
    %c0_i32_0 = arith.constant 0 : i32
    %c0_i32_1 = arith.constant 0 : i32
    return %c0_i32, %c0_i32_0 : i32, i32
  }
  func.func @transform_6(%arg0: i32) -> (i32, i32) {
    %c0_i32 = arith.constant 0 : i32
    %c0_i32_0 = arith.constant 0 : i32
    %c0_i32_1 = arith.constant 0 : i32
    return %c0_i32, %c0_i32_0 : i32, i32
  }
  func.func @transform_7(%arg0: i32) -> (i32, i32) {
    %c0_i32 = arith.constant 0 : i32
    %c0_i32_0 = arith.constant 0 : i32
    %c0_i32_1 = arith.constant 0 : i32
    return %c0_i32, %c0_i32_0 : i32, i32
  }
  func.func @transform_8(%arg0: i32) -> (i32, i32) {
    %c0_i32 = arith.constant 0 : i32
    %c0_i32_0 = arith.constant 0 : i32
    %c0_i32_1 = arith.constant 0 : i32
    return %c0_i32, %c0_i32_0 : i32, i32
  }
  func.func @transform_9(%arg0: i32) -> (i32, i32) {
    %c0_i32 = arith.constant 0 : i32
    %c0_i32_0 = arith.constant 0 : i32
    return %arg0, %c0_i32 : i32, i32
  }
}

</mosaic_0001>

<sc_bundles>
// kernel: kernel.5.cloned.1.call-start
scs
__scs_entry_jumppad:
0x0: {  	(pc) =	sbr.rel $0x88, $3  }
0x1: {  	(tag) =	ssettag $0x0;
	lr =	simm.s32 $0x1  }
0x2: {  	[smem:$0x3F96] =	sst lr;
	_ =	strace $0xD0000000  }
0x3: {  	_ = 	snop  }
0x4: {  	_ = 	snop  }
0x5: {  	_ = 	snop  }
0x6: {  	_ = 	snop  }
0x7: {  	_ = 	snop  }
__scs_overlays_trampoline_lowered:
0x8: {  	[smem:$0x3FA5] =	sst s0  }
0x9: {  	[smem:$0x3FA6] =	sst s1  }
0xa: {  	[smem:$0x3FA7] =	sst s2  }
0xb: {  	[smem:$0x3FA8] =	sst s3  }
0xc: {  	[smem:$0x3FA9] =	sst s4  }
0xd: {  	[smem:$0x3FAA] =	sst s5  }
0xe: {  	[smem:$0x3FAB] =	sst s6  }
0xf: {  	[smem:$0x3FAC] =	sst s7  }
0x10: {  	[smem:$0x3FAD] =	sst s8  }
0x11: {  	[smem:$0x3FAE] =	sst s9;
	s0 =	simm.s32 @!p0 $0x0  }
0x12: {  	s1 =	sld [smem:$0x3F94];
	s0 =	simm.s32 @p0 $0x1  }
0x13: {  	[smem:$0x3FAF] =	sst s0;
	s0 =	simm.s32 @!p1 $0x0  }
0x14: {  	s2 =	sld [smem:$0x3F93];
	s0 =	simm.s32 @p1 $0x1  }
0x15: {  	[smem:$0x3FB0] =	sst s0;
	s0 =	simm.s32 @!p2 $0x0  }
0x16: {  	s3 =	sld [smem:$0x3FDB];
	s0 =	simm.s32 @p2 $0x1  }
0x17: {  	s4 =	simm.s32 $0x1BF5;
	[smem:$0x3FB2] =	sst s0  }
0x18: {  	s0 =	sld [smem:$0x3F95];
	_ =	swait.ge [sflag:s4], $0x0  }
0x19: {  	s7 =	sld [smem:$0x3F96]  }
0x1a: {  	s8 =	sadd.s32 $0xFFFFE003, lr  }
0x1b: {  	s9 =	sadd.s32 $0xFFFFFEF7, lr;
	s5 =	simm.s32 $0xFFFFFFFF;
	p2 =	slt.u32 s8, $0xFFFFF086  }
0x1c: {  	p1 =	slt.u32 s9, $0xF7A;
	s5 =	simm.s32 @!p2 $0x0  }
0x1d: {  	s5 =	simm.s32 @p1 $0x1;
	p0 =	seq.s32 s7, s2  }
0x1e: {  	s7 =	smul.u32 @!p0 $0xF7A, s2;
	p2 =	seq.s32 @!p0 s5, $0x0  }
0x1f: {  	s9 =	smul.u32 $0xF7A, s1;
	s8 =	simm.s32 @!p0 $0x1BF5;
	p2 =	por !p2, p0  }
0x20: {  	[sflag:s8] =	ssyncset.s32 @!p0 $0xFFFFF086;
	s6 =	sadd.s32 @!p0 s3, s7;
	s7 =	simm.s32 @!p0 $0x108  }
0x21: {  	s3 =	sadd.s32 s3, s9;
	s6 =	sadd.s32 @!p0 $0x88, s6;
	s7 =	simm.s32 @p2 $0x1082  }
0x22: {  	[simem:s7], [sflag:s8] =	dma.local @!p0 [hbm:s6], $0xF7A  }
0x23: {  	s9 =	sor.u32 $0xD0000000, s2;
	s6 =	simm.s32 $0x108;
	_ =	swait.ge @!p0 [sflag:s8], $0x0  }
0x24: {  	s3 =	sadd.s32 $0x88, s3;
	s6 =	simm.s32 @!p1 $0x1082;
	[sflag:s4] =	ssyncset.s32 $0xFFFFF086  }
0x25: {  	[simem:s6], [sflag:s4] =	dma.local [hbm:s3], $0xF7A  }
0x26: {  	[smem:$0x3F96] =	sst s1;
	(tag) =	ssettag s2;
	_ =	strace s9  }
0x27: {  	s1 =	sld [smem:$0x3FA6]  }
0x28: {  	s2 =	sld [smem:$0x3FA7]  }
0x29: {  	s4 =	sld [smem:$0x3FA9]  }
0x2a: {  	p0 =	seq.s32 s5, $0x0;
	s5 =	sld [smem:$0x3FAA]  }
0x2b: {  	s6 =	sld [smem:$0x3FAB]  }
0x2c: {  	s7 =	sld [smem:$0x3FAC]  }
0x2d: {  	s3 =	simm.s32 $0x108;
	s8 =	sld [smem:$0x3FAD]  }
0x2e: {  	s3 =	simm.s32 @!p0 $0x1082;
	s9 =	sld [smem:$0x3FAE]  }
0x2f: {  	lr =	sadd.s32 s0, s3;
	s0 =	sld [smem:$0x3FA5]  }
0x30: {  	s3 =	sld [smem:$0x3FA8]  }
0x31: {  	[smem:$0x3FB1] =	sst s10  }
0x32: {  	s10 =	sld [smem:$0x3FAF];
	_ =	sdelay $0x3  }
0x33: {  	p0 =	seq.s32 s10, $0x1;
	s10 =	sld [smem:$0x3FB1];
	_ =	sdelay $0x3  }
0x34: {  	[smem:$0x3FB1] =	sst s10  }
0x35: {  	s10 =	sld [smem:$0x3FB0];
	_ =	sdelay $0x3  }
0x36: {  	p1 =	seq.s32 s10, $0x1;
	s10 =	sld [smem:$0x3FB1];
	_ =	sdelay $0x3  }
0x37: {  	[smem:$0x3FB1] =	sst s10  }
0x38: {  	s10 =	sld [smem:$0x3FB2]  }
0x39: {  	_ = 	snop;
	(pc) =	sbr.ind lr, $3  }
0x3a: {  	_ = 	snop  }
0x3b: {  	_ = 	snop  }
0x3c: {  	p2 =	seq.s32 s10, $0x1;
	s10 =	sld [smem:$0x3FB1]  }
0x3d: {  	_ =	shalt  }
0x3e: {  	_ =	shalt  }
0x3f: {  	_ =	shalt  }
0x40: {  	_ =	shalt  }
0x41: {  	_ =	shalt  }
0x42: {  	_ =	shalt  }
0x43: {  	_ =	shalt  }
0x44: {  	_ =	shalt  }
0x45: {  	_ =	shalt  }
0x46: {  	_ =	shalt  }
0x47: {  	_ =	shalt  }
0x48: {  	_ =	shalt  }
0x49: {  	_ =	shalt  }
0x4a: {  	_ =	shalt  }
0x4b: {  	_ =	shalt  }
0x4c: {  	_ =	shalt  }
0x4d: {  	_ =	shalt  }
0x4e: {  	_ =	shalt  }
0x4f: {  	_ =	shalt  }
0x50: {  	_ =	shalt  }
0x51: {  	_ =	shalt  }
0x52: {  	_ =	shalt  }
0x53: {  	_ =	shalt  }
0x54: {  	_ =	shalt  }
0x55: {  	_ =	shalt  }
0x56: {  	_ =	shalt  }
0x57: {  	_ =	shalt  }
0x58: {  	_ =	shalt  }
0x59: {  	_ =	shalt  }
0x5a: {  	_ =	shalt  }
0x5b: {  	_ =	shalt  }
0x5c: {  	_ =	shalt  }
0x5d: {  	_ =	shalt  }
0x5e: {  	_ =	shalt  }
0x5f: {  	_ =	shalt  }
0x60: {  	_ =	shalt  }
0x61: {  	_ =	shalt  }
0x62: {  	_ =	shalt  }
0x63: {  	_ =	shalt  }
0x64: {  	_ =	shalt  }
0x65: {  	_ =	shalt  }
0x66: {  	_ =	shalt  }
0x67: {  	_ =	shalt  }
0x68: {  	_ =	shalt  }
0x69: {  	_ =	shalt  }
0x6a: {  	_ =	shalt  }
0x6b: {  	_ =	shalt  }
0x6c: {  	_ =	shalt  }
0x6d: {  	_ =	shalt  }
0x6e: {  	_ =	shalt  }
0x6f: {  	_ =	shalt  }
0x70: {  	_ =	shalt  }
0x71: {  	_ =	shalt  }
0x72: {  	_ =	shalt  }
0x73: {  	_ =	shalt  }
0x74: {  	_ =	shalt  }
0x75: {  	_ =	shalt  }
0x76: {  	_ =	shalt  }
0x77: {  	_ =	shalt  }
0x78: {  	_ =	shalt  }
0x79: {  	_ =	shalt  }
0x7a: {  	_ =	shalt  }
0x7b: {  	_ =	shalt  }
0x7c: {  	_ =	shalt  }
0x7d: {  	_ =	shalt  }
0x7e: {  	_ =	shalt  }
0x7f: {  	_ =	shalt  }
0x80: {  	_ =	shalt  }
0x81: {  	_ =	shalt  }
0x82: {  	_ =	shalt  }
0x83: {  	_ =	shalt  }
0x84: {  	_ =	shalt  }
0x85: {  	_ =	shalt  }
0x86: {  	_ =	shalt  }
0x87: {  	_ =	shalt  }
.Lfunc_end0:
.L_simem_size_0:
called_computation_lowered:
.L_overlay_start_0:
0x88: {  	s2 =	sld [smem:$0x3FD9]  }
0x89: {  	s3 =	sld [smem:$0x3FFE];
	_ =	sdelay $0x1  }
0x8a: {  	s1 =	srdreg.scid  }
0x8b: {  	s0 =	sand.u32 $0x1, s1  }
0x8c: {  	s16 =	sshll.u32 s0, $0xA;
	s2 =	sadd.s32 s3, s2  }
0x8d: {  	s2 =	sadd.s32 s2, s16  }
0x8e: {  	[smem:$0x3FBD] =	sst s2  }
0x8f: {  	_ = 	snop  }
0x90: {  	(tm) =	ssettm $0x1  }
0x91: {  	s17 =	sld [smem:$0x3FFB];
	_ =	sdelay $0x3  }
0x92: {  	_ =	strace s17  }
0x93: {  	s2 =	sld [smem:$0x3FFC];
	_ =	sdelay $0x3  }
0x94: {  	_ =	strace s2  }
0x95: {  	s2 =	sld [smem:$0x3FFD];
	_ =	sdelay $0x3  }
0x96: {  	_ =	strace s2  }
0x97: {  	_ =	strace $0x8FFFFFFF  }
0x98: {  	s18 =	sld [smem:$0x3FDB];
	_ =	sdelay $0x1  }
0x99: {  	s19 =	simm.s32 $_scs_section_size  }
0x9a: {  	s4 =	simm.s32 $_size__tile_overlayer_lowered;
	s5 =	simm.s32 $_tile_overlayer_lowered  }
0x9b: {  	s22 =	simm.s32 $0x1BFF;
	s21 =	sshll.u32 s5, $0x1;
	s2 =	sadd.s32 s19, s18  }
0x9c: {  	s6 =	simm.s32 $0x0;
	s20 =	sshll.u32 s4, $0x1;
	s4 =	sadd.s32 s21, s2  }
0x9d: {  	[timem:s6], [sflag:s22] =	dma.local [hbm:s4], s20  }
0x9e: {  	_ =	swait.ge [sflag:s22], s20  }
0x9f: {  	s3 =	ssub.s32 $0x0, s20;
	[sflag:s22] =	ssyncset.done $0x0  }
0xa0: {  	[sflag:s22] =	ssyncadd.s32 s3;
	_ =	sdelay $0x1  }
0xa1: {  	s23 =	simm.s32 $0x1B8B  }
0xa2: {  	_ =	swait.ge [sflag:s23], $0x1  }
0xa3: {  	[sflag:s23] =	ssyncset.done $0x0  }
0xa4: {  	s25 =	simm.s32 $0x1B8E;
	s24 =	sld [smem:$0x3FFE];
	[sflag:s23] =	ssyncadd.s32 $0xFFFFFFFF  }
0xa5: {  	s26 =	simm.s32 $execute0_lowered;
	[smem:$0x3FD2] =	sst s25  }
0xa6: {  	s4 =	sshll.u32 s26, $0x1;
	_ =	strace $0x80000046;
	[dreg:$0x1] =	wrdreg $0xFFFFFFFF  }
0xa7: {  	s28 =	simm.s32 $_size_execute0_lowered;
	s2 =	sadd.s32 s2, s4;
	[dreg:$0x0] =	wrdreg $0x0  }
0xa8: {  	s4 =	sshll.u32 s28, $0x1;
	[dreg:$0x2] =	wrdreg s2  }
0xa9: {  	[dreg:$0x3] =	wrdreg s4  }
0xaa: {  	[dreg:$0x4] =	wrdreg $0xC0  }
0xab: {  	_ =	task [dreg:s6], $0x5FFFF  }
0xac: {  	[dreg:$0x1] =	wrdreg $0xFFFFFFFF  }
0xad: {  	[dreg:$0x0] =	wrdreg $0x60  }
0xae: {  	[dreg:$0x2] =	wrdreg s24  }
0xaf: {  	[dreg:$0x3] =	wrdreg $0x9  }
0xb0: {  	_ =	task.clear_ibuf [dreg:s6], $0x4FFFF;
	_ =	strace $0x90000046  }
0xb1: {  	s29 =	simm.s32 $0x9;
	_ =	strace $0x80000048  }
0xb2: {  	_ =	swait.ge [sflag:s29], $0x1  }
0xb3: {  	[sflag:s29] =	ssyncadd.s32 $0xFFFFFFFF  }
0xb4: {  	_ =	strace $0x90000048  }
0xb5: {  	_ =	sfence  }
0xb6: {  	s30 =	sld [smem:$0x0];
	_ =	sdelay $0x2  }
0xb7: {  	s31 =	sshll.u32 s1, $0xD;
	s1 =	sshrl.u32 s1, $0x2  }
0xb8: {  	s3 =	sand.u32 $0x4000, s31;
	s1 =	sadd.s32 s1, s30  }
0xb9: {  	s0 =	sor.u32 s3, s0;
	s1 =	sshll.u32 s1, $0x11  }
0xba: {  	s0 =	sor.u32 s1, s0  }
0xbb: {  	s0 =	sadd.s32 $0x8F2B, s0  }
0xbc: {  	[sflag:s0] =	ssyncadd.remote.s32 $0x1  }
0xbd: {  	_ =	sfence.sel $0xFFFF  }
0xbe: {  	[dreg:$0x0] =	wrdreg $0xFFFFFFFF;
	(pc) =	sbr.abs _section_cstart, $3  }
0xbf: {  	[dreg:$0x1] =	wrdreg $0xFFFFFFFF  }
0xc0: {  	_ =	task.clear_ibuf [dreg:s6], $0x2FFFF;
	_ =	strace $0x9FFFFFFF  }
0xc1: {  	(tm) =	ssettm $0x7FFFFFFF  }
tec
execute0_lowered:
.L_overlay_start_1:
0x0: {  	(tag) =	ssettag $0x1  }
0x1: {  	s1 =	srdreg.scid;
	s0 =	stileid.u32  }
0x2: {  	s5 =	rddreg [dreg:$0x0];
	s2 =	simm.s32 $0x0;
	s11 =	simm.s32 $0x7E00  }
0x3: {  	s12 =	simm.s32 $0x3;
	s13 =	simm.s32 $0x1F80;
	s14 =	simm.s32 $0x3F00  }
0x4: {  	s15 =	simm.s32 $0x5E80;
	s16 =	simm.s32 $0x1;
	s17 =	simm.s32 $0x1BA00  }
0x5: {  	s18 =	simm.s32 $0x11C00;
	s19 =	simm.s32 $0x14380;
	s20 =	simm.s32 $0x16B00  }
0x6: {  	s21 =	simm.s32 $0x19280;
	s3 =	sand.u32 $0x1, s1;
	s4 =	sshll.u32 s0, $0x1  }
0x7: {  	s22 =	simm.s32 $0x2;
	s23 =	simm.s32 $0x80;
	s4 =	sor.u32 s3, s4  }
0x8: {  	s24 =	simm.s32 $0x200;
	s25 =	simm.s32 $0x0;
	s6 =	smul.u32 $0x13C0, s4  }
.Ltmp0:
0x9: {  	[smem:$0x7FF] =	sst s2;
	s7 =	ssub.s32 $0x2, s3;
	(pc) =	sbr.rel .LBB2_1-.Ltmp0, $4  }
0xa: {  	_ =	strace $0x80000047;
	s3 =	sadd.s32 $0xAE00, s5;
	s8 =	sshrl.u32 s7, $0x1  }
0xb: {  	s4 =	sadd.s32 $0x1000, s5;
	s10 =	ssub.s32 s7, s8;
	s9 =	sadd.s32 s6, s5  }
0xc: {  	s10 =	smax.u32 s10, $0x1;
	s5 =	sadd.s32 $0x14C00, s9;
	s6 =	sadd.s32 $0x3C400, s9  }
0xd: {  	v0 =	vimm.f32 $0.0e+00;
	v1 =	vlaneseq.u32;
	s7 =	sadd.s32 $0x3C410, s9;
	s8 =	sadd.s32 $0x3C420, s9;
	s9 =	sadd.s32 $0x3C430, s9  }
.LBB2_17:
0xe: {  	[hbm4b:s6+s23] =	stream.strided.scatter [tilespmem:s18], [sflag:$0x3], $0x2780, s24, s23, $0x38;
	[tilespmem:$0x1E180] =	vst v63  }
0xf: {  	_ =	swait.ge [sflag:s12], $0x2780  }
0x10: {  	[sflag:s12] =	ssyncset.done $0x0  }
0x11: {  	[sflag:s12] =	ssyncadd.s32 $0xFFFFD880  }
0x12: {  	[hbm4b:s7+s23] =	stream.strided.scatter [tilespmem:s19], [sflag:$0x3], $0x2780, s24, s23, $0x38;
	[tilespmem:$0x1E180] =	vst v63  }
0x13: {  	_ =	swait.ge [sflag:s12], $0x2780  }
0x14: {  	[sflag:s12] =	ssyncset.done $0x0  }
0x15: {  	[sflag:s12] =	ssyncadd.s32 $0xFFFFD880  }
0x16: {  	[hbm4b:s8+s23] =	stream.strided.scatter [tilespmem:s20], [sflag:$0x3], $0x2780, s24, s23, $0x38;
	[tilespmem:$0x1E180] =	vst v63  }
0x17: {  	s25 =	sadd.s32 $0x1, s25;
	_ =	swait.ge [sflag:s12], $0x2780  }
0x18: {  	p0 =	sne.s32 s25, s10;
	[sflag:s12] =	ssyncset.done $0x0  }
.Ltmp1:
0x19: {  	[sflag:s12] =	ssyncadd.s32 $0xFFFFD880;
	(pc) =	sbr.rel @!p0 .LBB2_18-.Ltmp1, $4  }
0x1a: {  	[hbm4b:s9+s23] =	stream.strided.scatter [tilespmem:s21], [sflag:$0x3], $0x2780, s24, s23, $0x38;
	[tilespmem:$0x1E180] =	vst v63  }
0x1b: {  	_ =	swait.ge [sflag:s12], $0x2780  }
0x1c: {  	[sflag:s12] =	ssyncset.done $0x0  }
0x1d: {  	[sflag:s12] =	ssyncadd.s32 $0xFFFFD880  }
.LBB2_1:
0x1e: {  	[tilespmem:s11], [sflag:$0x3] =	stream.linear.gather [hbm4b:s5+s2], $0x9E00, $0x38;
	[tilespmem:$0x1E180] =	vst v63  }
0x1f: {  	_ =	swait.ge [sflag:s12], $0x9E00  }
0x20: {  	[sflag:s12] =	ssyncset.done $0x0  }
0x21: {  	s28 =	simm.s32 $0x40;
	s26 =	simm.s32 $0x0;
	[sflag:s12] =	ssyncadd.s32 $0xFFFF6200  }
.LBB2_2:
0x22: {  	p0 =	sne.s32 s28, $0x9C00;
	[tilespmem:s26+$0x19280] =	vst v0;
	s29 =	smov.u32 s28;
	s28 =	sadd.s32 $0x40, s28  }
.Ltmp2:
0x23: {  	[tilespmem:s26+$0x16B00] =	vst v0;
	(pc) =	sbr.rel @p0 .LBB2_2-.Ltmp2, $3  }
0x24: {  	[tilespmem:s26+$0x11C00] =	vst v0  }
0x25: {  	[tilespmem:s26+$0x14380] =	vst v0;
	_ =	sdelay $0x1  }
0x26: {  	s26 =	sshra.s32 s29, $0x2  }
0x27: {  	[tilespmem:s26+$0x19280] =	vst v0  }
0x28: {  	[tilespmem:s26+$0x16B00] =	vst v0  }
.Ltmp3:
0x29: {  	[tilespmem:s26+$0x11C00] =	vst v0;
	(pc) =	sbr.rel .LBB2_4-.Ltmp3, $4  }
0x2a: {  	[tilespmem:s26+$0x14380] =	vst v0;
	s26 =	simm.s32 $0x0  }
0x2b: {  	[tilespmem:s26], [sflag:$0x1] =	stream.linear.gather [hbm4b:s3+s26], $0x1F40, $0x38;
	[tilespmem:$0x1E180] =	vst v63  }
0x2c: {  	s28 =	simm.s32 $0x0  }
0x2d: {  	[tilespmem:s13], [sflag:$0x1] =	stream.linear.gather [hbm4b:s4+s26], $0x1F40, $0x38;
	[tilespmem:$0x1E180] =	vst v63  }
.LBB2_16:
0x2e: {  	s28 =	sadd.s32 $0x1, s28  }
0x2f: {  	p0 =	sne.s32 s28, $0x14  }
.Ltmp4:
0x30: {  	_ = 	snop;
	(pc) =	sbr.rel @!p0 .LBB2_17-.Ltmp4, $1  }
0x31: {  	_ =	sdelay $0x3  }
.LBB2_4:
0x32: {  	s29 =	smul.u32 $0x3E80, s28;
	_ =	sdelay $0x1  }
0x33: {  	s30 =	sshrl.u32 s29, $0x3  }
0x34: {  	s30 =	sadd.s32 $0x3E8, s30  }
0x35: {  	s31 =	sadd.s32 s3, s30  }
0x36: {  	[tilespmem:s14], [sflag:$0x2] =	stream.linear.gather [hbm4b:s31+s26], $0x1F40, $0x38;
	[tilespmem:$0x1E180] =	vst v63  }
0x37: {  	s30 =	sadd.s32 s4, s30  }
0x38: {  	[tilespmem:s15], [sflag:$0x2] =	stream.linear.gather [hbm4b:s30+s26], $0x1F40, $0x38;
	[tilespmem:$0x1E180] =	vst v63  }
0x39: {  	_ =	swait.ge [sflag:s16], $0x1F40  }
.Ltmp5:
0x3a: {  	[sflag:s16] =	ssyncset.done $0x0;
	(pc) =	sbr.rel .LBB2_5-.Ltmp5, $4  }
0x3b: {  	[sflag:s16] =	ssyncadd.s32 $0xFFFFE0C0  }
0x3c: {  	_ =	swait.ge [sflag:s16], $0x1F40  }
0x3d: {  	[sflag:s16] =	ssyncset.done $0x0  }
0x3e: {  	s30 =	simm.s32 $0x0;
	[sflag:s16] =	ssyncadd.s32 $0xFFFFE0C0  }
.LBB2_8:
0x3f: {  	_ =	sdelay $0x3  }
0x40: {  	v3 =	vmax.f32 v8, v7  }
0x41: {  	[tilespmem:v2+s21+$0x0] =	vst.idx.msk vm0, v3  }
.LBB2_9:
0x42: {  	s30 =	sadd.s32 $0x1, s30  }
0x43: {  	p0 =	sne.s32 s30, $0x1F4  }
.Ltmp6:
0x44: {  	_ = 	snop;
	(pc) =	sbr.rel @!p0 .LBB2_10-.Ltmp6, $1  }
0x45: {  	_ =	sdelay $0x3  }
.LBB2_5:
0x46: {  	s31 =	sshll.u32 s30, $0x4  }
0x47: {  	v3 =	vld [tilespmem:s31+$0x0];
	_ =	sdelay $0x1  }
0x48: {  	v2 =	vld [tilespmem:s31+$0x1F80];
	_ =	sdelay $0x2  }
0x49: {  	v4 =	vshll.u32 v3, $0x2  }
0x4a: {  	v3 =	vand.u32 $0x7F, v3;
	v4 =	vand.u32 $0xFFFFFE00, v4  }
0x4b: {  	v3 =	vor.u32 v3, v4;
	_ =	sdelay $0x2  }
0x4c: {  	[tilespmem:v2+s17+$0x0] =	vst.idx.msk $0xffff, v1  }
0x4d: {  	v6 =	vld.idx.msk [tilespmem:v2+s18+$0x0], $0xffff  }
0x4e: {  	v5 =	vld.idx.msk [tilespmem:v3+s11+$0x0], $0xffff  }
0x4f: {  	v7 =	vld.idx.msk [tilespmem:v2+s17+$0x0], $0xffff  }
0x50: {  	v4 =	vor.u32 $0x80, v3;
	_ =	sdelay $0x2  }
0x51: {  	v5 =	vmax.f32 v6, v5  }
0x52: {  	vm0 =	veq.s32 v7, v1;
	[tilespmem:v2+s18+$0x0] =	vst.idx.msk $0xffff, v5  }
0x53: {  	v7 =	vmpcnt.ones.xlane vm0;
	v6 =	vld.idx.msk [tilespmem:v4+s11+$0x0], $0xffff  }
0x54: {  	v8 =	vld.idx.msk [tilespmem:v2+s19+$0x0], $0xffff  }
0x55: {  	(v2sf) =	vpush v7, $0x0  }
0x56: {  	v5 =	vor.u32 $0x100, v3;
	_ =	sdelay $0x2  }
0x57: {  	v6 =	vmax.f32 v8, v6  }
0x58: {  	[tilespmem:v2+s19+$0x0] =	vst.idx.msk $0xffff, v6  }
0x59: {  	v7 =	vld.idx.msk [tilespmem:v5+s11+$0x0], $0xffff  }
0x5a: {  	v8 =	vld.idx.msk [tilespmem:v2+s20+$0x0], $0xffff;
	_ =	sdelay $0x1  }
0x5b: {  	v6 =	vor.u32 $0x180, v3;
	_ =	sdelay $0x2  }
0x5c: {  	v7 =	vmax.f32 v8, v7  }
0x5d: {  	[tilespmem:v2+s20+$0x0] =	vst.idx.msk $0xffff, v7  }
0x5e: {  	v7 =	vld.idx.msk [tilespmem:v6+s11+$0x0], $0xffff  }
0x5f: {  	s31 =	spop (v2sf);
	v8 =	vld.idx.msk [tilespmem:v2+s21+$0x0], $0xffff  }
0x60: {  	p0 =	sgt.s32 s31, $0xF  }
.Ltmp7:
0x61: {  	_ = 	snop;
	(pc) =	sbr.rel @p0 .LBB2_9-.Ltmp7, $3  }
0x62: {  	_ =	sdelay $0x1  }
0x63: {  	v7 =	vmax.f32 v8, v7  }
0x64: {  	s31 =	simm.s32 $0x0;
	[tilespmem:v2+s21+$0x0] =	vst.idx.msk $0xffff, v7  }
0x65: {  	_ =	sdelay $0x3  }
0x66: {  	v7 =	vld.idx.msk [tilespmem:v2+s18+$0x0], $0xffff;
	v8 =	vmov s31  }
0x67: {  	v9 =	vld.idx.msk [tilespmem:v3+s11+$0x0], $0xffff;
	vm0 =	veq.s32 v8, v1;
	_ =	sdelay $0x4  }
0x68: {  	v7 =	vmax.f32 v7, v9  }
0x69: {  	[tilespmem:v2+s18+$0x0] =	vst.idx.msk vm0, v7  }
0x6a: {  	v7 =	vld.idx.msk [tilespmem:v4+s11+$0x0], $0xffff  }
0x6b: {  	v8 =	vld.idx.msk [tilespmem:v2+s19+$0x0], $0xffff;
	_ =	sdelay $0x4  }
0x6c: {  	v7 =	vmax.f32 v8, v7  }
0x6d: {  	[tilespmem:v2+s19+$0x0] =	vst.idx.msk vm0, v7  }
0x6e: {  	v7 =	vld.idx.msk [tilespmem:v5+s11+$0x0], $0xffff  }
0x6f: {  	v8 =	vld.idx.msk [tilespmem:v2+s20+$0x0], $0xffff;
	_ =	sdelay $0x4  }
0x70: {  	v7 =	vmax.f32 v8, v7  }
0x71: {  	[tilespmem:v2+s20+$0x0] =	vst.idx.msk vm0, v7  }
0x72: {  	v7 =	vld.idx.msk [tilespmem:v6+s11+$0x0], $0xffff  }
0x73: {  	v8 =	vld.idx.msk [tilespmem:v2+s21+$0x0], $0xffff;
	_ =	sdelay $0x1  }
0x74: {  	s31 =	simm.s32 $0x1  }
.LBB2_7:
0x75: {  	p0 =	sne.s32 s31, $0xF;
	s1 =	smov.u32 s31;
	s31 =	sadd.s32 $0x1, s31  }
0x76: {  	_ = 	snop  }
0x77: {  	v7 =	vmax.f32 v8, v7  }
0x78: {  	[tilespmem:v2+s21+$0x0] =	vst.idx.msk vm0, v7  }
0x79: {  	v7 =	vld.idx.msk [tilespmem:v2+s18+$0x0], $0xffff  }
0x7a: {  	v8 =	vmov s1;
	v9 =	vld.idx.msk [tilespmem:v3+s11+$0x0], $0xffff  }
0x7b: {  	vm0 =	veq.s32 v8, v1;
	_ =	sdelay $0x4  }
0x7c: {  	v7 =	vmax.f32 v7, v9  }
0x7d: {  	[tilespmem:v2+s18+$0x0] =	vst.idx.msk vm0, v7  }
0x7e: {  	v7 =	vld.idx.msk [tilespmem:v4+s11+$0x0], $0xffff  }
0x7f: {  	v8 =	vld.idx.msk [tilespmem:v2+s19+$0x0], $0xffff;
	_ =	sdelay $0x5  }
0x80: {  	v7 =	vmax.f32 v8, v7  }
0x81: {  	[tilespmem:v2+s19+$0x0] =	vst.idx.msk vm0, v7  }
0x82: {  	v7 =	vld.idx.msk [tilespmem:v5+s11+$0x0], $0xffff  }
0x83: {  	v8 =	vld.idx.msk [tilespmem:v2+s20+$0x0], $0xffff;
	_ =	sdelay $0x4  }
.Ltmp8:
0x84: {  	(pc) =	sbr.rel @p0 .LBB2_7-.Ltmp8, $4  }
0x85: {  	v7 =	vmax.f32 v8, v7  }
0x86: {  	[tilespmem:v2+s20+$0x0] =	vst.idx.msk vm0, v7  }
0x87: {  	v7 =	vld.idx.msk [tilespmem:v6+s11+$0x0], $0xffff  }
0x88: {  	v8 =	vld.idx.msk [tilespmem:v2+s21+$0x0], $0xffff  }
.Ltmp9:
0x89: {  	_ = 	snop;
	(pc) =	sbr.rel .LBB2_8-.Ltmp9, $1  }
0x8a: {  	_ =	sdelay $0x3  }
.LBB2_10:
0x8b: {  	p0 =	seq.s32 s28, $0x13  }
0x8c: {  	s1 =	sshrl.u32 @!p0 s29, $0x3  }
0x8d: {  	s1 =	sadd.s32 @!p0 $0x7D0, s1  }
0x8e: {  	s30 =	simm.s32 @!p0 $0x0;
	s29 =	sadd.s32 @!p0 s3, s1  }
0x8f: {  	[tilespmem:s30], [sflag:$0x1] =	stream.linear.gather @!p0 [hbm4b:s29+s30], $0x1F40, $0x38;
	[tilespmem:$0x1E180] =	vst v63  }
0x90: {  	s1 =	sadd.s32 @!p0 s4, s1;
	s29 =	simm.s32 @!p0 $0x1F80  }
0x91: {  	[tilespmem:s29], [sflag:$0x1] =	stream.linear.gather @!p0 [hbm4b:s1+s30], $0x1F40, $0x38;
	[tilespmem:$0x1E180] =	vst v63  }
0x92: {  	_ =	swait.ge [sflag:s22], $0x1F40  }
.Ltmp10:
0x93: {  	[sflag:s22] =	ssyncset.done $0x0;
	(pc) =	sbr.rel .LBB2_11-.Ltmp10, $4  }
0x94: {  	[sflag:s22] =	ssyncadd.s32 $0xFFFFE0C0  }
0x95: {  	_ =	swait.ge [sflag:s22], $0x1F40  }
0x96: {  	[sflag:s22] =	ssyncset.done $0x0  }
0x97: {  	s29 =	simm.s32 $0x0;
	s30 =	simm.s32 $0x0;
	[sflag:s22] =	ssyncadd.s32 $0xFFFFE0C0  }
.LBB2_14:
0x98: {  	_ =	sdelay $0x3  }
0x99: {  	v3 =	vmax.f32 v8, v7  }
0x9a: {  	[tilespmem:v2+s21+$0x0] =	vst.idx.msk vm0, v3  }
.LBB2_15:
0x9b: {  	s30 =	sadd.s32 $0x1, s30  }
0x9c: {  	p0 =	sne.s32 s30, $0x1F4  }
.Ltmp11:
0x9d: {  	_ = 	snop;
	(pc) =	sbr.rel @!p0 .LBB2_16-.Ltmp11, $1  }
0x9e: {  	_ =	sdelay $0x3  }
.LBB2_11:
0x9f: {  	s1 =	sshll.u32 s30, $0x4  }
0xa0: {  	v3 =	vld [tilespmem:s1+$0x3F00];
	_ =	sdelay $0x1  }
0xa1: {  	v2 =	vld [tilespmem:s1+$0x5E80];
	_ =	sdelay $0x2  }
0xa2: {  	v4 =	vshll.u32 v3, $0x2  }
0xa3: {  	v3 =	vand.u32 $0x7F, v3;
	v4 =	vand.u32 $0xFFFFFE00, v4  }
0xa4: {  	v3 =	vor.u32 v3, v4;
	_ =	sdelay $0x2  }
0xa5: {  	[tilespmem:v2+s17+$0x0] =	vst.idx.msk $0xffff, v1  }
0xa6: {  	v6 =	vld.idx.msk [tilespmem:v2+s18+$0x0], $0xffff  }
0xa7: {  	v5 =	vld.idx.msk [tilespmem:v3+s11+$0x0], $0xffff  }
0xa8: {  	v7 =	vld.idx.msk [tilespmem:v2+s17+$0x0], $0xffff  }
0xa9: {  	v4 =	vor.u32 $0x80, v3;
	_ =	sdelay $0x2  }
0xaa: {  	v5 =	vmax.f32 v6, v5  }
0xab: {  	vm0 =	veq.s32 v7, v1;
	[tilespmem:v2+s18+$0x0] =	vst.idx.msk $0xffff, v5  }
0xac: {  	v7 =	vmpcnt.ones.xlane vm0;
	v6 =	vld.idx.msk [tilespmem:v4+s11+$0x0], $0xffff  }
0xad: {  	v8 =	vld.idx.msk [tilespmem:v2+s19+$0x0], $0xffff  }
0xae: {  	(v2sf) =	vpush v7, $0x0  }
0xaf: {  	v5 =	vor.u32 $0x100, v3;
	_ =	sdelay $0x2  }
0xb0: {  	v6 =	vmax.f32 v8, v6  }
0xb1: {  	[tilespmem:v2+s19+$0x0] =	vst.idx.msk $0xffff, v6  }
0xb2: {  	v7 =	vld.idx.msk [tilespmem:v5+s11+$0x0], $0xffff  }
0xb3: {  	v8 =	vld.idx.msk [tilespmem:v2+s20+$0x0], $0xffff;
	_ =	sdelay $0x1  }
0xb4: {  	v6 =	vor.u32 $0x180, v3;
	_ =	sdelay $0x2  }
0xb5: {  	v7 =	vmax.f32 v8, v7  }
0xb6: {  	[tilespmem:v2+s20+$0x0] =	vst.idx.msk $0xffff, v7  }
0xb7: {  	v7 =	vld.idx.msk [tilespmem:v6+s11+$0x0], $0xffff  }
0xb8: {  	s31 =	spop (v2sf);
	v8 =	vld.idx.msk [tilespmem:v2+s21+$0x0], $0xffff  }
0xb9: {  	p0 =	sgt.s32 s31, $0xF  }
.Ltmp12:
0xba: {  	_ = 	snop;
	(pc) =	sbr.rel @p0 .LBB2_15-.Ltmp12, $3  }
0xbb: {  	_ =	sdelay $0x1  }
0xbc: {  	v7 =	vmax.f32 v8, v7  }
0xbd: {  	[tilespmem:v2+s21+$0x0] =	vst.idx.msk $0xffff, v7  }
0xbe: {  	_ =	sdelay $0x3  }
0xbf: {  	v7 =	vld.idx.msk [tilespmem:v2+s18+$0x0], $0xffff;
	v8 =	vmov s29  }
0xc0: {  	v9 =	vld.idx.msk [tilespmem:v3+s11+$0x0], $0xffff;
	vm0 =	veq.s32 v8, v1;
	_ =	sdelay $0x4  }
0xc1: {  	v7 =	vmax.f32 v7, v9  }
0xc2: {  	[tilespmem:v2+s18+$0x0] =	vst.idx.msk vm0, v7  }
0xc3: {  	v7 =	vld.idx.msk [tilespmem:v4+s11+$0x0], $0xffff  }
0xc4: {  	v8 =	vld.idx.msk [tilespmem:v2+s19+$0x0], $0xffff;
	_ =	sdelay $0x4  }
0xc5: {  	v7 =	vmax.f32 v8, v7  }
0xc6: {  	[tilespmem:v2+s19+$0x0] =	vst.idx.msk vm0, v7  }
0xc7: {  	v7 =	vld.idx.msk [tilespmem:v5+s11+$0x0], $0xffff  }
0xc8: {  	v8 =	vld.idx.msk [tilespmem:v2+s20+$0x0], $0xffff;
	_ =	sdelay $0x4  }
0xc9: {  	v7 =	vmax.f32 v8, v7  }
0xca: {  	[tilespmem:v2+s20+$0x0] =	vst.idx.msk vm0, v7  }
0xcb: {  	v7 =	vld.idx.msk [tilespmem:v6+s11+$0x0], $0xffff  }
0xcc: {  	v8 =	vld.idx.msk [tilespmem:v2+s21+$0x0], $0xffff;
	_ =	sdelay $0x1  }
0xcd: {  	s31 =	simm.s32 $0x1  }
.LBB2_13:
0xce: {  	p0 =	sne.s32 s31, $0xF;
	s1 =	smov.u32 s31;
	s31 =	sadd.s32 $0x1, s31  }
0xcf: {  	_ = 	snop  }
0xd0: {  	v7 =	vmax.f32 v8, v7  }
0xd1: {  	[tilespmem:v2+s21+$0x0] =	vst.idx.msk vm0, v7  }
0xd2: {  	v7 =	vld.idx.msk [tilespmem:v2+s18+$0x0], $0xffff  }
0xd3: {  	v8 =	vmov s1;
	v9 =	vld.idx.msk [tilespmem:v3+s11+$0x0], $0xffff  }
0xd4: {  	vm0 =	veq.s32 v8, v1;
	_ =	sdelay $0x4  }
0xd5: {  	v7 =	vmax.f32 v7, v9  }
0xd6: {  	[tilespmem:v2+s18+$0x0] =	vst.idx.msk vm0, v7  }
0xd7: {  	v7 =	vld.idx.msk [tilespmem:v4+s11+$0x0], $0xffff  }
0xd8: {  	v8 =	vld.idx.msk [tilespmem:v2+s19+$0x0], $0xffff;
	_ =	sdelay $0x5  }
0xd9: {  	v7 =	vmax.f32 v8, v7  }
0xda: {  	[tilespmem:v2+s19+$0x0] =	vst.idx.msk vm0, v7  }
0xdb: {  	v7 =	vld.idx.msk [tilespmem:v5+s11+$0x0], $0xffff  }
0xdc: {  	v8 =	vld.idx.msk [tilespmem:v2+s20+$0x0], $0xffff;
	_ =	sdelay $0x4  }
.Ltmp13:
0xdd: {  	(pc) =	sbr.rel @p0 .LBB2_13-.Ltmp13, $4  }
0xde: {  	v7 =	vmax.f32 v8, v7  }
0xdf: {  	[tilespmem:v2+s20+$0x0] =	vst.idx.msk vm0, v7  }
0xe0: {  	v7 =	vld.idx.msk [tilespmem:v6+s11+$0x0], $0xffff  }
0xe1: {  	v8 =	vld.idx.msk [tilespmem:v2+s21+$0x0], $0xffff  }
.Ltmp14:
0xe2: {  	_ = 	snop;
	(pc) =	sbr.rel .LBB2_14-.Ltmp14, $1  }
0xe3: {  	_ =	sdelay $0x3  }
.LBB2_18:
0xe4: {  	_ =	sfence.sel $0x180000  }
0xe5: {  	[bflag:$0x0] =	sbarrier.arrive $0xFFFF  }
0xe6: {  	_ =	strace $0x90000047  }
0xe7: {  	[bflag:$0x2] =	sbarrier.arrive $0xFFFF  }
0xe8: {  	p0 =	sne.s32 s0, $0x0;
	s0 =	rddreg [dreg:$0x1]  }
0xe9: {  	s0 =	sadd.s32 @!p0 $0x100000, s0  }
0xea: {  	[sflag:s0] =	ssyncadd.tile.s32 @!p0 $0x1;
	_ =	shalt  }
.Lfunc_end2:
_tile_overlayer_lowered:
.L_overlay_start_2:
0xeb: {  	(tag) =	ssettag $0x2  }
0xec: {  	s0 =	rddreg [dreg:$0x0];
	s2 =	stileid.u32  }
0xed: {  	s1 =	rddreg [dreg:$0x1];
	p0 =	sne.s32 s2, $0x0  }
0xee: {  	s3 =	rddreg [dreg:$0x2];
	[bflag:$0x3] =	sbarrier.arrive $0xFFFF;
	s2 =	simm.s32 @!p0 $0x1C03  }
0xef: {  	[timem:s3], [sflag:s2] =	dma.local @!p0 [hbm:s0], s1  }
0xf0: {  	s0 =	simm.s32 @!p0 $0x3  }
0xf1: {  	_ =	swait.ge @!p0 [sflag:s0], s1  }
0xf2: {  	s1 =	ssub.s32 @!p0 $0x0, s1;
	[sflag:s0] =	ssyncset.done @!p0 $0x0  }
0xf3: {  	[sflag:s0] =	ssyncadd.s32 @!p0 s1  }
0xf4: {  	[bflag:$0x3] =	sbarrier.arrive $0xFFFF  }
0xf5: {  	_ =	shalt  }

</sc_bundles>
